<compile_context>
chip_gen: v7x
topology: tpu7x:2x2x1
jax: 0.10.2.dev20260603
libtpu: 0.0.44.dev20260713+nightly
codegen_flags: <defaults>
</compile_context>

<pallas_src>
import functools

import jax
import jax.numpy as jnp
from jax import lax
from jax.experimental import pallas as pl
from jax.experimental.pallas import tpu as pltpu
from jax.experimental.pallas import tpu_sc as plsc

_N = 1048576
_N_SPECIES = 119
_TAB = 128
_NC, _NS, _L = 2, 16, 16
_NW = _NC * _NS
_PER_W = _N // _NW
_CHUNK = 8192
_SCHED = (8192, 8192, 8192, 8192)
_OFFS = tuple(sum(_SCHED[:i]) for i in range(len(_SCHED)))
assert sum(_SCHED) == _PER_W
_NCH = len(_SCHED)


def _build():
    mesh = plsc.VectorSubcoreMesh(core_axis_name="c", subcore_axis_name="s")

    @functools.partial(
        pl.kernel,
        mesh=mesh,
        compiler_params=pltpu.CompilerParams(needs_layout_passes=False),
        out_type=jax.ShapeDtypeStruct((_N,), jnp.float32),
        scratch_types=[
            pltpu.VMEM((_TAB,), jnp.float32),
            pltpu.VMEM((_CHUNK,), jnp.int32),
            pltpu.VMEM((_CHUNK,), jnp.int32),
            pltpu.VMEM((_CHUNK,), jnp.float32),
            pltpu.VMEM((_CHUNK,), jnp.float32),
            pltpu.VMEM((_CHUNK,), jnp.float32),
            pltpu.VMEM((_CHUNK,), jnp.float32),
            pltpu.SemaphoreType.DMA,
            pltpu.SemaphoreType.DMA,
            pltpu.SemaphoreType.DMA,
            pltpu.SemaphoreType.DMA,
        ],
    )
    def k(x_hbm, idx_hbm, shift_hbm, out_hbm, table_v,
          idx_v0, idx_v1, x_v0, x_v1, y_v0, y_v1,
          sem_in0, sem_in1, sem_out0, sem_out1):
        wid = lax.axis_index("s") * _NC + lax.axis_index("c")
        base = wid * _PER_W
        idx_bufs = (idx_v0, idx_v1)
        x_bufs = (x_v0, x_v1)
        y_bufs = (y_v0, y_v1)
        sem_in = (sem_in0, sem_in1)
        sem_out = (sem_out0, sem_out1)

        def start_in(c):
            n = _SCHED[c]
            sl = pl.ds(base + _OFFS[c], n)
            s = sem_in[c % 2]
            return (pltpu.async_copy(idx_hbm.at[sl],
                                     idx_bufs[c % 2].at[pl.ds(0, n)], s),
                    pltpu.async_copy(x_hbm.at[sl],
                                     x_bufs[c % 2].at[pl.ds(0, n)], s))

        in_flight = [start_in(0)]
        pltpu.sync_copy(shift_hbm, table_v)
        out_flight = [None, None]

        for c in range(_NCH):
            if c + 1 < _NCH:
                in_flight.append(start_in(c + 1))
            for d in in_flight.pop(0):
                d.wait()
            if out_flight[c % 2] is not None:
                out_flight[c % 2].wait()

            ib = idx_bufs[c % 2]
            xb = x_bufs[c % 2]
            yb = y_bufs[c % 2]

            @plsc.parallel_loop(0, _SCHED[c], step=_L, unroll=8)
            def _(i):
                sl = pl.ds(i, _L)
                sv = plsc.load_gather(table_v, [ib[sl]])
                yb[sl] = xb[sl] - sv

            out_flight[c % 2] = pltpu.async_copy(
                yb.at[pl.ds(0, _SCHED[c])],
                out_hbm.at[pl.ds(base + _OFFS[c], _SCHED[c])],
                sem_out[c % 2])

        for d in out_flight:
            if d is not None:
                d.wait()

    return k


_sc_kernel = _build()


def kernel(x, atomic_numbers, shift):
    idx = atomic_numbers.astype(jnp.int32)
    table = jnp.pad(shift.reshape(-1), (0, _TAB - _N_SPECIES))
    return _sc_kernel(x, idx, table)

# --- scband reference (transcript-rebuilt; emitter-appended) ---
"""Pipeline reference for scband-per-atom-shift-41162966565482 (READ-ONLY COPY).

The authoritative reference and input builder live on the scoring server;
editing this copy changes nothing except your own understanding.
"""

import jax, jax.numpy as jnp
import numpy as np

N_ATOMS = 1048576
N_SPECIES = 119  # periodic table size


def setup_inputs(seed: int = 0) -> dict:
    key = jax.random.key(seed)
    k1, k2, k3 = jax.random.split(key, 3)
    x = jax.random.normal(k1, (N_ATOMS,), dtype=jnp.float32)
    atomic_numbers = jax.random.randint(k2, (N_ATOMS,), 0, N_SPECIES, dtype=jnp.int64)
    # PerSpeciesParameter.of_dim(1): one learned shift per species, shape [Z_max, 1]
    shift = jax.random.normal(k3, (N_SPECIES, 1), dtype=jnp.float32)
    return {"x": x, "atomic_numbers": atomic_numbers, "shift": shift}


def reference(x, atomic_numbers, shift):
    # shifts = self.shift[graph['atomic_numbers']].squeeze()
    shifts = jnp.take(shift, atomic_numbers, axis=0).squeeze(-1)  # [N]
    # x is a local (per-atom) property: x.shape[0] == number of atoms,
    # so is_local_property is True and no per-structure summation occurs.
    # left_aligned_sub(x, shifts) with matching 1-D shapes is plain subtraction.
    y = x - shifts
    return y

if __name__ == "__main__":
    import jax
    _d = setup_inputs()
    print(jax.jit(kernel)(*tuple(_d.values())))

</pallas_src>

<mosaic_0001>
#map = affine_map<(d0, d1) -> (0)>
module attributes {stable_mosaic.version = 14 : i64} {
  func.func @k(%arg0: i32, %arg1: i32, %arg2: memref<1048576xf32, #tpu.memory_space<hbm>>, %arg3: memref<1048576xi32, #tpu.memory_space<hbm>>, %arg4: memref<128xf32, #tpu.memory_space<hbm>>, %arg5: memref<1048576xf32, #tpu.memory_space<hbm>>, %arg6: memref<128xf32, #tpu.memory_space<vmem>>, %arg7: memref<8192xi32, #tpu.memory_space<vmem>>, %arg8: memref<8192xi32, #tpu.memory_space<vmem>>, %arg9: memref<8192xf32, #tpu.memory_space<vmem>>, %arg10: memref<8192xf32, #tpu.memory_space<vmem>>, %arg11: memref<8192xf32, #tpu.memory_space<vmem>>, %arg12: memref<8192xf32, #tpu.memory_space<vmem>>, %arg13: memref<!tpu.dma_semaphore, #tpu.memory_space<semaphore_mem>>, %arg14: memref<!tpu.dma_semaphore, #tpu.memory_space<semaphore_mem>>, %arg15: memref<!tpu.dma_semaphore, #tpu.memory_space<semaphore_mem>>, %arg16: memref<!tpu.dma_semaphore, #tpu.memory_space<semaphore_mem>>) attributes {dimension_semantics = [#tpu.dimension_semantics<core_parallel>, #tpu.dimension_semantics<subcore_parallel>], iteration_bounds = array<i64: 2, 16>, scalar_prefetch = 0 : i64, scratch_operands = 11 : i64, tpu.core_type = #tpu.core_type<sc_vector_subcore>, window_params = [{transform_indices = #map}, {transform_indices = #map}, {transform_indices = #map}, {transform_indices = #map}]} {
    %mul3A = arith.constant 2 : i32
    %mul3A_0 = arith.muli %arg1, %mul3A : i32
    %add3A = arith.addi %mul3A_0, %arg0 : i32
    %mul3A_1 = arith.constant 32768 : i32
    %mul3A_2 = arith.muli %add3A, %mul3A_1 : i32
    %add3A_3 = arith.constant 0 : i32
    %add3A_4 = arith.addi %mul3A_2, %add3A_3 : i32
    %dma_start3A = arith.constant 0 : i32
    %dma_start3A_5 = tpu.memref_slice %arg7[%dma_start3A] : memref<8192xi32, #tpu.memory_space<vmem>> -> memref<8192xi32, #tpu.memory_space<vmem>>
    %dma_start3A_6 = tpu.memref_slice %arg3[%add3A_4] : memref<1048576xi32, #tpu.memory_space<hbm>> -> memref<8192xi32, #tpu.memory_space<hbm>>
    %dma_start3A_7 = arith.constant 0 : i32
    %dma_start3A_8 = tpu.memref_slice %arg7[%dma_start3A_7] : memref<8192xi32, #tpu.memory_space<vmem>> -> memref<8192xi32, #tpu.memory_space<vmem>>
    %dma_start3A_9 = tpu.memref_slice %arg3[%add3A_4] : memref<1048576xi32, #tpu.memory_space<hbm>> -> memref<8192xi32, #tpu.memory_space<hbm>>
    tpu.enqueue_dma source(%dma_start3A_9 : memref<8192xi32, #tpu.memory_space<hbm>>) target(%dma_start3A_8 : memref<8192xi32, #tpu.memory_space<vmem>>) target_semaphore(%arg13 : memref<!tpu.dma_semaphore, #tpu.memory_space<semaphore_mem>>)
    %dma_start3A_10 = arith.constant 0 : i32
    %dma_start3A_11 = tpu.memref_slice %arg9[%dma_start3A_10] : memref<8192xf32, #tpu.memory_space<vmem>> -> memref<8192xf32, #tpu.memory_space<vmem>>
    %dma_start3A_12 = tpu.memref_slice %arg2[%add3A_4] : memref<1048576xf32, #tpu.memory_space<hbm>> -> memref<8192xf32, #tpu.memory_space<hbm>>
    %dma_start3A_13 = arith.constant 0 : i32
    %dma_start3A_14 = tpu.memref_slice %arg9[%dma_start3A_13] : memref<8192xf32, #tpu.memory_space<vmem>> -> memref<8192xf32, #tpu.memory_space<vmem>>
    %dma_start3A_15 = tpu.memref_slice %arg2[%add3A_4] : memref<1048576xf32, #tpu.memory_space<hbm>> -> memref<8192xf32, #tpu.memory_space<hbm>>
    tpu.enqueue_dma source(%dma_start3A_15 : memref<8192xf32, #tpu.memory_space<hbm>>) target(%dma_start3A_14 : memref<8192xf32, #tpu.memory_space<vmem>>) target_semaphore(%arg13 : memref<!tpu.dma_semaphore, #tpu.memory_space<semaphore_mem>>)
    "tpu.region"() ({
      %run_scoped3A = tpu.sem_alloc : memref<!tpu.dma_semaphore, #tpu.memory_space<semaphore_mem>>
      tpu.enqueue_dma source(%arg4 : memref<128xf32, #tpu.memory_space<hbm>>) target(%arg6 : memref<128xf32, #tpu.memory_space<vmem>>) target_semaphore(%run_scoped3A : memref<!tpu.dma_semaphore, #tpu.memory_space<semaphore_mem>>)
      tpu.wait_dma2 semaphore(%run_scoped3A : memref<!tpu.dma_semaphore, #tpu.memory_space<semaphore_mem>>) src(%arg4 : memref<128xf32, #tpu.memory_space<hbm>>) dst(%arg6 : memref<128xf32, #tpu.memory_space<vmem>>)
      tpu.yield
    }) : () -> ()
    %add3A_16 = arith.constant 8192 : i32
    %add3A_17 = arith.addi %mul3A_2, %add3A_16 : i32
    %dma_start3A_18 = arith.constant 0 : i32
    %dma_start3A_19 = tpu.memref_slice %arg8[%dma_start3A_18] : memref<8192xi32, #tpu.memory_space<vmem>> -> memref<8192xi32, #tpu.memory_space<vmem>>
    %dma_start3A_20 = tpu.memref_slice %arg3[%add3A_17] : memref<1048576xi32, #tpu.memory_space<hbm>> -> memref<8192xi32, #tpu.memory_space<hbm>>
    %dma_start3A_21 = arith.constant 0 : i32
    %dma_start3A_22 = tpu.memref_slice %arg8[%dma_start3A_21] : memref<8192xi32, #tpu.memory_space<vmem>> -> memref<8192xi32, #tpu.memory_space<vmem>>
    %dma_start3A_23 = tpu.memref_slice %arg3[%add3A_17] : memref<1048576xi32, #tpu.memory_space<hbm>> -> memref<8192xi32, #tpu.memory_space<hbm>>
    tpu.enqueue_dma source(%dma_start3A_23 : memref<8192xi32, #tpu.memory_space<hbm>>) target(%dma_start3A_22 : memref<8192xi32, #tpu.memory_space<vmem>>) target_semaphore(%arg14 : memref<!tpu.dma_semaphore, #tpu.memory_space<semaphore_mem>>)
    %dma_start3A_24 = arith.constant 0 : i32
    %dma_start3A_25 = tpu.memref_slice %arg10[%dma_start3A_24] : memref<8192xf32, #tpu.memory_space<vmem>> -> memref<8192xf32, #tpu.memory_space<vmem>>
    %dma_start3A_26 = tpu.memref_slice %arg2[%add3A_17] : memref<1048576xf32, #tpu.memory_space<hbm>> -> memref<8192xf32, #tpu.memory_space<hbm>>
    %dma_start3A_27 = arith.constant 0 : i32
    %dma_start3A_28 = tpu.memref_slice %arg10[%dma_start3A_27] : memref<8192xf32, #tpu.memory_space<vmem>> -> memref<8192xf32, #tpu.memory_space<vmem>>
    %dma_start3A_29 = tpu.memref_slice %arg2[%add3A_17] : memref<1048576xf32, #tpu.memory_space<hbm>> -> memref<8192xf32, #tpu.memory_space<hbm>>
    tpu.enqueue_dma source(%dma_start3A_29 : memref<8192xf32, #tpu.memory_space<hbm>>) target(%dma_start3A_28 : memref<8192xf32, #tpu.memory_space<vmem>>) target_semaphore(%arg14 : memref<!tpu.dma_semaphore, #tpu.memory_space<semaphore_mem>>)
    %dma_wait3A = arith.constant 0 : i32
    %dma_wait3A_30 = tpu.memref_slice %arg7[%dma_wait3A] : memref<8192xi32, #tpu.memory_space<vmem>> -> memref<8192xi32, #tpu.memory_space<vmem>>
    %dma_wait3A_31 = tpu.memref_slice %arg3[%add3A_4] : memref<1048576xi32, #tpu.memory_space<hbm>> -> memref<8192xi32, #tpu.memory_space<hbm>>
    %dma_wait3A_32 = arith.constant 0 : i32
    %dma_wait3A_33 = tpu.memref_slice %arg7[%dma_wait3A_32] : memref<8192xi32, #tpu.memory_space<vmem>> -> memref<8192xi32, #tpu.memory_space<vmem>>
    %dma_wait3A_34 = tpu.memref_slice %arg3[%add3A_4] : memref<1048576xi32, #tpu.memory_space<hbm>> -> memref<8192xi32, #tpu.memory_space<hbm>>
    tpu.wait_dma2 semaphore(%arg13 : memref<!tpu.dma_semaphore, #tpu.memory_space<semaphore_mem>>) src(%dma_wait3A_34 : memref<8192xi32, #tpu.memory_space<hbm>>) dst(%dma_wait3A_33 : memref<8192xi32, #tpu.memory_space<vmem>>)
    %dma_wait3A_35 = arith.constant 0 : i32
    %dma_wait3A_36 = tpu.memref_slice %arg9[%dma_wait3A_35] : memref<8192xf32, #tpu.memory_space<vmem>> -> memref<8192xf32, #tpu.memory_space<vmem>>
    %dma_wait3A_37 = tpu.memref_slice %arg2[%add3A_4] : memref<1048576xf32, #tpu.memory_space<hbm>> -> memref<8192xf32, #tpu.memory_space<hbm>>
    %dma_wait3A_38 = arith.constant 0 : i32
    %dma_wait3A_39 = tpu.memref_slice %arg9[%dma_wait3A_38] : memref<8192xf32, #tpu.memory_space<vmem>> -> memref<8192xf32, #tpu.memory_space<vmem>>
    %dma_wait3A_40 = tpu.memref_slice %arg2[%add3A_4] : memref<1048576xf32, #tpu.memory_space<hbm>> -> memref<8192xf32, #tpu.memory_space<hbm>>
    tpu.wait_dma2 semaphore(%arg13 : memref<!tpu.dma_semaphore, #tpu.memory_space<semaphore_mem>>) src(%dma_wait3A_40 : memref<8192xf32, #tpu.memory_space<hbm>>) dst(%dma_wait3A_39 : memref<8192xf32, #tpu.memory_space<vmem>>)
    %parallel_loop3A = arith.constant 0 : i32
    %parallel_loop3A_41 = arith.constant 8192 : i32
    %parallel_loop3A_42 = arith.constant 16 : i32
    scf.for %parallel_loop3A_172 = %parallel_loop3A to %parallel_loop3A_41 step %parallel_loop3A_42  : i32 {
      %parallel_loop3A_173 = arith.index_cast %parallel_loop3A_172 : i32 to index
      %parallel_loop3A_174 = tpu.vector_load %arg7[%parallel_loop3A_173] {strides = array<i32>} : memref<8192xi32, #tpu.memory_space<vmem>>, vector<16xi32>,
      %parallel_loop3A_175 = tpu.vector_load_idx %arg6[%parallel_loop3A_174] : memref<128xf32, #tpu.memory_space<vmem>>[vector<16xi32>], vector<16xf32>,
      %parallel_loop3A_176 = arith.index_cast %parallel_loop3A_172 : i32 to index
      %parallel_loop3A_177 = tpu.vector_load %arg9[%parallel_loop3A_176] {strides = array<i32>} : memref<8192xf32, #tpu.memory_space<vmem>>, vector<16xf32>,
      %parallel_loop3A_178 = arith.subf %parallel_loop3A_177, %parallel_loop3A_175 : vector<16xf32>
      %parallel_loop3A_179 = arith.index_cast %parallel_loop3A_172 : i32 to index
      %parallel_loop3A_180 = tpu.vector_load %arg11[%parallel_loop3A_179] {strides = array<i32>} : memref<8192xf32, #tpu.memory_space<vmem>>, vector<16xf32>,
      tpu.vector_store %arg11[%parallel_loop3A_179], %parallel_loop3A_178 {strides = array<i32>} : memref<8192xf32, #tpu.memory_space<vmem>>, vector<16xf32>,
    } {sc.loop_unroll_factor = 8 : i64, sc.parallel_access}
    %add3A_43 = arith.constant 0 : i32
    %add3A_44 = arith.addi %mul3A_2, %add3A_43 : i32
    %dma_start3A_45 = arith.constant 0 : i32
    %dma_start3A_46 = tpu.memref_slice %arg11[%dma_start3A_45] : memref<8192xf32, #tpu.memory_space<vmem>> -> memref<8192xf32, #tpu.memory_space<vmem>>
    %dma_start3A_47 = tpu.memref_slice %arg5[%add3A_44] : memref<1048576xf32, #tpu.memory_space<hbm>> -> memref<8192xf32, #tpu.memory_space<hbm>>
    %dma_start3A_48 = tpu.memref_slice %arg5[%add3A_44] : memref<1048576xf32, #tpu.memory_space<hbm>> -> memref<8192xf32, #tpu.memory_space<hbm>>
    %dma_start3A_49 = arith.constant 0 : i32
    %dma_start3A_50 = tpu.memref_slice %arg11[%dma_start3A_49] : memref<8192xf32, #tpu.memory_space<vmem>> -> memref<8192xf32, #tpu.memory_space<vmem>>
    tpu.enqueue_dma source(%dma_start3A_50 : memref<8192xf32, #tpu.memory_space<vmem>>) target(%dma_start3A_48 : memref<8192xf32, #tpu.memory_space<hbm>>) target_semaphore(%arg15 : memref<!tpu.dma_semaphore, #tpu.memory_space<semaphore_mem>>)
    %add3A_51 = arith.constant 16384 : i32
    %add3A_52 = arith.addi %mul3A_2, %add3A_51 : i32
    %dma_start3A_53 = arith.constant 0 : i32
    %dma_start3A_54 = tpu.memref_slice %arg7[%dma_start3A_53] : memref<8192xi32, #tpu.memory_space<vmem>> -> memref<8192xi32, #tpu.memory_space<vmem>>
    %dma_start3A_55 = tpu.memref_slice %arg3[%add3A_52] : memref<1048576xi32, #tpu.memory_space<hbm>> -> memref<8192xi32, #tpu.memory_space<hbm>>
    %dma_start3A_56 = arith.constant 0 : i32
    %dma_start3A_57 = tpu.memref_slice %arg7[%dma_start3A_56] : memref<8192xi32, #tpu.memory_space<vmem>> -> memref<8192xi32, #tpu.memory_space<vmem>>
    %dma_start3A_58 = tpu.memref_slice %arg3[%add3A_52] : memref<1048576xi32, #tpu.memory_space<hbm>> -> memref<8192xi32, #tpu.memory_space<hbm>>
    tpu.enqueue_dma source(%dma_start3A_58 : memref<8192xi32, #tpu.memory_space<hbm>>) target(%dma_start3A_57 : memref<8192xi32, #tpu.memory_space<vmem>>) target_semaphore(%arg13 : memref<!tpu.dma_semaphore, #tpu.memory_space<semaphore_mem>>)
    %dma_start3A_59 = arith.constant 0 : i32
    %dma_start3A_60 = tpu.memref_slice %arg9[%dma_start3A_59] : memref<8192xf32, #tpu.memory_space<vmem>> -> memref<8192xf32, #tpu.memory_space<vmem>>
    %dma_start3A_61 = tpu.memref_slice %arg2[%add3A_52] : memref<1048576xf32, #tpu.memory_space<hbm>> -> memref<8192xf32, #tpu.memory_space<hbm>>
    %dma_start3A_62 = arith.constant 0 : i32
    %dma_start3A_63 = tpu.memref_slice %arg9[%dma_start3A_62] : memref<8192xf32, #tpu.memory_space<vmem>> -> memref<8192xf32, #tpu.memory_space<vmem>>
    %dma_start3A_64 = tpu.memref_slice %arg2[%add3A_52] : memref<1048576xf32, #tpu.memory_space<hbm>> -> memref<8192xf32, #tpu.memory_space<hbm>>
    tpu.enqueue_dma source(%dma_start3A_64 : memref<8192xf32, #tpu.memory_space<hbm>>) target(%dma_start3A_63 : memref<8192xf32, #tpu.memory_space<vmem>>) target_semaphore(%arg13 : memref<!tpu.dma_semaphore, #tpu.memory_space<semaphore_mem>>)
    %dma_wait3A_65 = arith.constant 0 : i32
    %dma_wait3A_66 = tpu.memref_slice %arg8[%dma_wait3A_65] : memref<8192xi32, #tpu.memory_space<vmem>> -> memref<8192xi32, #tpu.memory_space<vmem>>
    %dma_wait3A_67 = tpu.memref_slice %arg3[%add3A_17] : memref<1048576xi32, #tpu.memory_space<hbm>> -> memref<8192xi32, #tpu.memory_space<hbm>>
    %dma_wait3A_68 = arith.constant 0 : i32
    %dma_wait3A_69 = tpu.memref_slice %arg8[%dma_wait3A_68] : memref<8192xi32, #tpu.memory_space<vmem>> -> memref<8192xi32, #tpu.memory_space<vmem>>
    %dma_wait3A_70 = tpu.memref_slice %arg3[%add3A_17] : memref<1048576xi32, #tpu.memory_space<hbm>> -> memref<8192xi32, #tpu.memory_space<hbm>>
    tpu.wait_dma2 semaphore(%arg14 : memref<!tpu.dma_semaphore, #tpu.memory_space<semaphore_mem>>) src(%dma_wait3A_70 : memref<8192xi32, #tpu.memory_space<hbm>>) dst(%dma_wait3A_69 : memref<8192xi32, #tpu.memory_space<vmem>>)
    %dma_wait3A_71 = arith.constant 0 : i32
    %dma_wait3A_72 = tpu.memref_slice %arg10[%dma_wait3A_71] : memref<8192xf32, #tpu.memory_space<vmem>> -> memref<8192xf32, #tpu.memory_space<vmem>>
    %dma_wait3A_73 = tpu.memref_slice %arg2[%add3A_17] : memref<1048576xf32, #tpu.memory_space<hbm>> -> memref<8192xf32, #tpu.memory_space<hbm>>
    %dma_wait3A_74 = arith.constant 0 : i32
    %dma_wait3A_75 = tpu.memref_slice %arg10[%dma_wait3A_74] : memref<8192xf32, #tpu.memory_space<vmem>> -> memref<8192xf32, #tpu.memory_space<vmem>>
    %dma_wait3A_76 = tpu.memref_slice %arg2[%add3A_17] : memref<1048576xf32, #tpu.memory_space<hbm>> -> memref<8192xf32, #tpu.memory_space<hbm>>
    tpu.wait_dma2 semaphore(%arg14 : memref<!tpu.dma_semaphore, #tpu.memory_space<semaphore_mem>>) src(%dma_wait3A_76 : memref<8192xf32, #tpu.memory_space<hbm>>) dst(%dma_wait3A_75 : memref<8192xf32, #tpu.memory_space<vmem>>)
    %parallel_loop3A_77 = arith.constant 0 : i32
    %parallel_loop3A_78 = arith.constant 8192 : i32
    %parallel_loop3A_79 = arith.constant 16 : i32
    scf.for %parallel_loop3A_172 = %parallel_loop3A_77 to %parallel_loop3A_78 step %parallel_loop3A_79  : i32 {
      %parallel_loop3A_173 = arith.index_cast %parallel_loop3A_172 : i32 to index
      %parallel_loop3A_174 = tpu.vector_load %arg8[%parallel_loop3A_173] {strides = array<i32>} : memref<8192xi32, #tpu.memory_space<vmem>>, vector<16xi32>,
      %parallel_loop3A_175 = tpu.vector_load_idx %arg6[%parallel_loop3A_174] : memref<128xf32, #tpu.memory_space<vmem>>[vector<16xi32>], vector<16xf32>,
      %parallel_loop3A_176 = arith.index_cast %parallel_loop3A_172 : i32 to index
      %parallel_loop3A_177 = tpu.vector_load %arg10[%parallel_loop3A_176] {strides = array<i32>} : memref<8192xf32, #tpu.memory_space<vmem>>, vector<16xf32>,
      %parallel_loop3A_178 = arith.subf %parallel_loop3A_177, %parallel_loop3A_175 : vector<16xf32>
      %parallel_loop3A_179 = arith.index_cast %parallel_loop3A_172 : i32 to index
      %parallel_loop3A_180 = tpu.vector_load %arg12[%parallel_loop3A_179] {strides = array<i32>} : memref<8192xf32, #tpu.memory_space<vmem>>, vector<16xf32>,
      tpu.vector_store %arg12[%parallel_loop3A_179], %parallel_loop3A_178 {strides = array<i32>} : memref<8192xf32, #tpu.memory_space<vmem>>, vector<16xf32>,
    } {sc.loop_unroll_factor = 8 : i64, sc.parallel_access}
    %add3A_80 = arith.constant 8192 : i32
    %add3A_81 = arith.addi %mul3A_2, %add3A_80 : i32
    %dma_start3A_82 = arith.constant 0 : i32
    %dma_start3A_83 = tpu.memref_slice %arg12[%dma_start3A_82] : memref<8192xf32, #tpu.memory_space<vmem>> -> memref<8192xf32, #tpu.memory_space<vmem>>
    %dma_start3A_84 = tpu.memref_slice %arg5[%add3A_81] : memref<1048576xf32, #tpu.memory_space<hbm>> -> memref<8192xf32, #tpu.memory_space<hbm>>
    %dma_start3A_85 = tpu.memref_slice %arg5[%add3A_81] : memref<1048576xf32, #tpu.memory_space<hbm>> -> memref<8192xf32, #tpu.memory_space<hbm>>
    %dma_start3A_86 = arith.constant 0 : i32
    %dma_start3A_87 = tpu.memref_slice %arg12[%dma_start3A_86] : memref<8192xf32, #tpu.memory_space<vmem>> -> memref<8192xf32, #tpu.memory_space<vmem>>
    tpu.enqueue_dma source(%dma_start3A_87 : memref<8192xf32, #tpu.memory_space<vmem>>) target(%dma_start3A_85 : memref<8192xf32, #tpu.memory_space<hbm>>) target_semaphore(%arg16 : memref<!tpu.dma_semaphore, #tpu.memory_space<semaphore_mem>>)
    %add3A_88 = arith.constant 24576 : i32
    %add3A_89 = arith.addi %mul3A_2, %add3A_88 : i32
    %dma_start3A_90 = arith.constant 0 : i32
    %dma_start3A_91 = tpu.memref_slice %arg8[%dma_start3A_90] : memref<8192xi32, #tpu.memory_space<vmem>> -> memref<8192xi32, #tpu.memory_space<vmem>>
    %dma_start3A_92 = tpu.memref_slice %arg3[%add3A_89] : memref<1048576xi32, #tpu.memory_space<hbm>> -> memref<8192xi32, #tpu.memory_space<hbm>>
    %dma_start3A_93 = arith.constant 0 : i32
    %dma_start3A_94 = tpu.memref_slice %arg8[%dma_start3A_93] : memref<8192xi32, #tpu.memory_space<vmem>> -> memref<8192xi32, #tpu.memory_space<vmem>>
    %dma_start3A_95 = tpu.memref_slice %arg3[%add3A_89] : memref<1048576xi32, #tpu.memory_space<hbm>> -> memref<8192xi32, #tpu.memory_space<hbm>>
    tpu.enqueue_dma source(%dma_start3A_95 : memref<8192xi32, #tpu.memory_space<hbm>>) target(%dma_start3A_94 : memref<8192xi32, #tpu.memory_space<vmem>>) target_semaphore(%arg14 : memref<!tpu.dma_semaphore, #tpu.memory_space<semaphore_mem>>)
    %dma_start3A_96 = arith.constant 0 : i32
    %dma_start3A_97 = tpu.memref_slice %arg10[%dma_start3A_96] : memref<8192xf32, #tpu.memory_space<vmem>> -> memref<8192xf32, #tpu.memory_space<vmem>>
    %dma_start3A_98 = tpu.memref_slice %arg2[%add3A_89] : memref<1048576xf32, #tpu.memory_space<hbm>> -> memref<8192xf32, #tpu.memory_space<hbm>>
    %dma_start3A_99 = arith.constant 0 : i32
    %dma_start3A_100 = tpu.memref_slice %arg10[%dma_start3A_99] : memref<8192xf32, #tpu.memory_space<vmem>> -> memref<8192xf32, #tpu.memory_space<vmem>>
    %dma_start3A_101 = tpu.memref_slice %arg2[%add3A_89] : memref<1048576xf32, #tpu.memory_space<hbm>> -> memref<8192xf32, #tpu.memory_space<hbm>>
    tpu.enqueue_dma source(%dma_start3A_101 : memref<8192xf32, #tpu.memory_space<hbm>>) target(%dma_start3A_100 : memref<8192xf32, #tpu.memory_space<vmem>>) target_semaphore(%arg14 : memref<!tpu.dma_semaphore, #tpu.memory_space<semaphore_mem>>)
    %dma_wait3A_102 = arith.constant 0 : i32
    %dma_wait3A_103 = tpu.memref_slice %arg7[%dma_wait3A_102] : memref<8192xi32, #tpu.memory_space<vmem>> -> memref<8192xi32, #tpu.memory_space<vmem>>
    %dma_wait3A_104 = tpu.memref_slice %arg3[%add3A_52] : memref<1048576xi32, #tpu.memory_space<hbm>> -> memref<8192xi32, #tpu.memory_space<hbm>>
    %dma_wait3A_105 = arith.constant 0 : i32
    %dma_wait3A_106 = tpu.memref_slice %arg7[%dma_wait3A_105] : memref<8192xi32, #tpu.memory_space<vmem>> -> memref<8192xi32, #tpu.memory_space<vmem>>
    %dma_wait3A_107 = tpu.memref_slice %arg3[%add3A_52] : memref<1048576xi32, #tpu.memory_space<hbm>> -> memref<8192xi32, #tpu.memory_space<hbm>>
    tpu.wait_dma2 semaphore(%arg13 : memref<!tpu.dma_semaphore, #tpu.memory_space<semaphore_mem>>) src(%dma_wait3A_107 : memref<8192xi32, #tpu.memory_space<hbm>>) dst(%dma_wait3A_106 : memref<8192xi32, #tpu.memory_space<vmem>>)
    %dma_wait3A_108 = arith.constant 0 : i32
    %dma_wait3A_109 = tpu.memref_slice %arg9[%dma_wait3A_108] : memref<8192xf32, #tpu.memory_space<vmem>> -> memref<8192xf32, #tpu.memory_space<vmem>>
    %dma_wait3A_110 = tpu.memref_slice %arg2[%add3A_52] : memref<1048576xf32, #tpu.memory_space<hbm>> -> memref<8192xf32, #tpu.memory_space<hbm>>
    %dma_wait3A_111 = arith.constant 0 : i32
    %dma_wait3A_112 = tpu.memref_slice %arg9[%dma_wait3A_111] : memref<8192xf32, #tpu.memory_space<vmem>> -> memref<8192xf32, #tpu.memory_space<vmem>>
    %dma_wait3A_113 = tpu.memref_slice %arg2[%add3A_52] : memref<1048576xf32, #tpu.memory_space<hbm>> -> memref<8192xf32, #tpu.memory_space<hbm>>
    tpu.wait_dma2 semaphore(%arg13 : memref<!tpu.dma_semaphore, #tpu.memory_space<semaphore_mem>>) src(%dma_wait3A_113 : memref<8192xf32, #tpu.memory_space<hbm>>) dst(%dma_wait3A_112 : memref<8192xf32, #tpu.memory_space<vmem>>)
    %dma_wait3A_114 = arith.constant 0 : i32
    %dma_wait3A_115 = tpu.memref_slice %arg11[%dma_wait3A_114] : memref<8192xf32, #tpu.memory_space<vmem>> -> memref<8192xf32, #tpu.memory_space<vmem>>
    %dma_wait3A_116 = tpu.memref_slice %arg5[%add3A_44] : memref<1048576xf32, #tpu.memory_space<hbm>> -> memref<8192xf32, #tpu.memory_space<hbm>>
    %dma_wait3A_117 = tpu.memref_slice %arg5[%add3A_44] : memref<1048576xf32, #tpu.memory_space<hbm>> -> memref<8192xf32, #tpu.memory_space<hbm>>
    %dma_wait3A_118 = arith.constant 0 : i32
    %dma_wait3A_119 = tpu.memref_slice %arg11[%dma_wait3A_118] : memref<8192xf32, #tpu.memory_space<vmem>> -> memref<8192xf32, #tpu.memory_space<vmem>>
    tpu.wait_dma2 semaphore(%arg15 : memref<!tpu.dma_semaphore, #tpu.memory_space<semaphore_mem>>) src(%dma_wait3A_119 : memref<8192xf32, #tpu.memory_space<vmem>>) dst(%dma_wait3A_117 : memref<8192xf32, #tpu.memory_space<hbm>>)
    %parallel_loop3A_120 = arith.constant 0 : i32
    %parallel_loop3A_121 = arith.constant 8192 : i32
    %parallel_loop3A_122 = arith.constant 16 : i32
    scf.for %parallel_loop3A_172 = %parallel_loop3A_120 to %parallel_loop3A_121 step %parallel_loop3A_122  : i32 {
      %parallel_loop3A_173 = arith.index_cast %parallel_loop3A_172 : i32 to index
      %parallel_loop3A_174 = tpu.vector_load %arg7[%parallel_loop3A_173] {strides = array<i32>} : memref<8192xi32, #tpu.memory_space<vmem>>, vector<16xi32>,
      %parallel_loop3A_175 = tpu.vector_load_idx %arg6[%parallel_loop3A_174] : memref<128xf32, #tpu.memory_space<vmem>>[vector<16xi32>], vector<16xf32>,
      %parallel_loop3A_176 = arith.index_cast %parallel_loop3A_172 : i32 to index
      %parallel_loop3A_177 = tpu.vector_load %arg9[%parallel_loop3A_176] {strides = array<i32>} : memref<8192xf32, #tpu.memory_space<vmem>>, vector<16xf32>,
      %parallel_loop3A_178 = arith.subf %parallel_loop3A_177, %parallel_loop3A_175 : vector<16xf32>
      %parallel_loop3A_179 = arith.index_cast %parallel_loop3A_172 : i32 to index
      %parallel_loop3A_180 = tpu.vector_load %arg11[%parallel_loop3A_179] {strides = array<i32>} : memref<8192xf32, #tpu.memory_space<vmem>>, vector<16xf32>,
      tpu.vector_store %arg11[%parallel_loop3A_179], %parallel_loop3A_178 {strides = array<i32>} : memref<8192xf32, #tpu.memory_space<vmem>>, vector<16xf32>,
    } {sc.loop_unroll_factor = 8 : i64, sc.parallel_access}
    %add3A_123 = arith.constant 16384 : i32
    %add3A_124 = arith.addi %mul3A_2, %add3A_123 : i32
    %dma_start3A_125 = arith.constant 0 : i32
    %dma_start3A_126 = tpu.memref_slice %arg11[%dma_start3A_125] : memref<8192xf32, #tpu.memory_space<vmem>> -> memref<8192xf32, #tpu.memory_space<vmem>>
    %dma_start3A_127 = tpu.memref_slice %arg5[%add3A_124] : memref<1048576xf32, #tpu.memory_space<hbm>> -> memref<8192xf32, #tpu.memory_space<hbm>>
    %dma_start3A_128 = tpu.memref_slice %arg5[%add3A_124] : memref<1048576xf32, #tpu.memory_space<hbm>> -> memref<8192xf32, #tpu.memory_space<hbm>>
    %dma_start3A_129 = arith.constant 0 : i32
    %dma_start3A_130 = tpu.memref_slice %arg11[%dma_start3A_129] : memref<8192xf32, #tpu.memory_space<vmem>> -> memref<8192xf32, #tpu.memory_space<vmem>>
    tpu.enqueue_dma source(%dma_start3A_130 : memref<8192xf32, #tpu.memory_space<vmem>>) target(%dma_start3A_128 : memref<8192xf32, #tpu.memory_space<hbm>>) target_semaphore(%arg15 : memref<!tpu.dma_semaphore, #tpu.memory_space<semaphore_mem>>)
    %dma_wait3A_131 = arith.constant 0 : i32
    %dma_wait3A_132 = tpu.memref_slice %arg8[%dma_wait3A_131] : memref<8192xi32, #tpu.memory_space<vmem>> -> memref<8192xi32, #tpu.memory_space<vmem>>
    %dma_wait3A_133 = tpu.memref_slice %arg3[%add3A_89] : memref<1048576xi32, #tpu.memory_space<hbm>> -> memref<8192xi32, #tpu.memory_space<hbm>>
    %dma_wait3A_134 = arith.constant 0 : i32
    %dma_wait3A_135 = tpu.memref_slice %arg8[%dma_wait3A_134] : memref<8192xi32, #tpu.memory_space<vmem>> -> memref<8192xi32, #tpu.memory_space<vmem>>
    %dma_wait3A_136 = tpu.memref_slice %arg3[%add3A_89] : memref<1048576xi32, #tpu.memory_space<hbm>> -> memref<8192xi32, #tpu.memory_space<hbm>>
    tpu.wait_dma2 semaphore(%arg14 : memref<!tpu.dma_semaphore, #tpu.memory_space<semaphore_mem>>) src(%dma_wait3A_136 : memref<8192xi32, #tpu.memory_space<hbm>>) dst(%dma_wait3A_135 : memref<8192xi32, #tpu.memory_space<vmem>>)
    %dma_wait3A_137 = arith.constant 0 : i32
    %dma_wait3A_138 = tpu.memref_slice %arg10[%dma_wait3A_137] : memref<8192xf32, #tpu.memory_space<vmem>> -> memref<8192xf32, #tpu.memory_space<vmem>>
    %dma_wait3A_139 = tpu.memref_slice %arg2[%add3A_89] : memref<1048576xf32, #tpu.memory_space<hbm>> -> memref<8192xf32, #tpu.memory_space<hbm>>
    %dma_wait3A_140 = arith.constant 0 : i32
    %dma_wait3A_141 = tpu.memref_slice %arg10[%dma_wait3A_140] : memref<8192xf32, #tpu.memory_space<vmem>> -> memref<8192xf32, #tpu.memory_space<vmem>>
    %dma_wait3A_142 = tpu.memref_slice %arg2[%add3A_89] : memref<1048576xf32, #tpu.memory_space<hbm>> -> memref<8192xf32, #tpu.memory_space<hbm>>
    tpu.wait_dma2 semaphore(%arg14 : memref<!tpu.dma_semaphore, #tpu.memory_space<semaphore_mem>>) src(%dma_wait3A_142 : memref<8192xf32, #tpu.memory_space<hbm>>) dst(%dma_wait3A_141 : memref<8192xf32, #tpu.memory_space<vmem>>)
    %dma_wait3A_143 = arith.constant 0 : i32
    %dma_wait3A_144 = tpu.memref_slice %arg12[%dma_wait3A_143] : memref<8192xf32, #tpu.memory_space<vmem>> -> memref<8192xf32, #tpu.memory_space<vmem>>
    %dma_wait3A_145 = tpu.memref_slice %arg5[%add3A_81] : memref<1048576xf32, #tpu.memory_space<hbm>> -> memref<8192xf32, #tpu.memory_space<hbm>>
    %dma_wait3A_146 = tpu.memref_slice %arg5[%add3A_81] : memref<1048576xf32, #tpu.memory_space<hbm>> -> memref<8192xf32, #tpu.memory_space<hbm>>
    %dma_wait3A_147 = arith.constant 0 : i32
    %dma_wait3A_148 = tpu.memref_slice %arg12[%dma_wait3A_147] : memref<8192xf32, #tpu.memory_space<vmem>> -> memref<8192xf32, #tpu.memory_space<vmem>>
    tpu.wait_dma2 semaphore(%arg16 : memref<!tpu.dma_semaphore, #tpu.memory_space<semaphore_mem>>) src(%dma_wait3A_148 : memref<8192xf32, #tpu.memory_space<vmem>>) dst(%dma_wait3A_146 : memref<8192xf32, #tpu.memory_space<hbm>>)
    %parallel_loop3A_149 = arith.constant 0 : i32
    %parallel_loop3A_150 = arith.constant 8192 : i32
    %parallel_loop3A_151 = arith.constant 16 : i32
    scf.for %parallel_loop3A_172 = %parallel_loop3A_149 to %parallel_loop3A_150 step %parallel_loop3A_151  : i32 {
      %parallel_loop3A_173 = arith.index_cast %parallel_loop3A_172 : i32 to index
      %parallel_loop3A_174 = tpu.vector_load %arg8[%parallel_loop3A_173] {strides = array<i32>} : memref<8192xi32, #tpu.memory_space<vmem>>, vector<16xi32>,
      %parallel_loop3A_175 = tpu.vector_load_idx %arg6[%parallel_loop3A_174] : memref<128xf32, #tpu.memory_space<vmem>>[vector<16xi32>], vector<16xf32>,
      %parallel_loop3A_176 = arith.index_cast %parallel_loop3A_172 : i32 to index
      %parallel_loop3A_177 = tpu.vector_load %arg10[%parallel_loop3A_176] {strides = array<i32>} : memref<8192xf32, #tpu.memory_space<vmem>>, vector<16xf32>,
      %parallel_loop3A_178 = arith.subf %parallel_loop3A_177, %parallel_loop3A_175 : vector<16xf32>
      %parallel_loop3A_179 = arith.index_cast %parallel_loop3A_172 : i32 to index
      %parallel_loop3A_180 = tpu.vector_load %arg12[%parallel_loop3A_179] {strides = array<i32>} : memref<8192xf32, #tpu.memory_space<vmem>>, vector<16xf32>,
      tpu.vector_store %arg12[%parallel_loop3A_179], %parallel_loop3A_178 {strides = array<i32>} : memref<8192xf32, #tpu.memory_space<vmem>>, vector<16xf32>,
    } {sc.loop_unroll_factor = 8 : i64, sc.parallel_access}
    %add3A_152 = arith.constant 24576 : i32
    %add3A_153 = arith.addi %mul3A_2, %add3A_152 : i32
    %dma_start3A_154 = arith.constant 0 : i32
    %dma_start3A_155 = tpu.memref_slice %arg12[%dma_start3A_154] : memref<8192xf32, #tpu.memory_space<vmem>> -> memref<8192xf32, #tpu.memory_space<vmem>>
    %dma_start3A_156 = tpu.memref_slice %arg5[%add3A_153] : memref<1048576xf32, #tpu.memory_space<hbm>> -> memref<8192xf32, #tpu.memory_space<hbm>>
    %dma_start3A_157 = tpu.memref_slice %arg5[%add3A_153] : memref<1048576xf32, #tpu.memory_space<hbm>> -> memref<8192xf32, #tpu.memory_space<hbm>>
    %dma_start3A_158 = arith.constant 0 : i32
    %dma_start3A_159 = tpu.memref_slice %arg12[%dma_start3A_158] : memref<8192xf32, #tpu.memory_space<vmem>> -> memref<8192xf32, #tpu.memory_space<vmem>>
    tpu.enqueue_dma source(%dma_start3A_159 : memref<8192xf32, #tpu.memory_space<vmem>>) target(%dma_start3A_157 : memref<8192xf32, #tpu.memory_space<hbm>>) target_semaphore(%arg16 : memref<!tpu.dma_semaphore, #tpu.memory_space<semaphore_mem>>)
    %dma_wait3A_160 = arith.constant 0 : i32
    %dma_wait3A_161 = tpu.memref_slice %arg11[%dma_wait3A_160] : memref<8192xf32, #tpu.memory_space<vmem>> -> memref<8192xf32, #tpu.memory_space<vmem>>
    %dma_wait3A_162 = tpu.memref_slice %arg5[%add3A_124] : memref<1048576xf32, #tpu.memory_space<hbm>> -> memref<8192xf32, #tpu.memory_space<hbm>>
    %dma_wait3A_163 = tpu.memref_slice %arg5[%add3A_124] : memref<1048576xf32, #tpu.memory_space<hbm>> -> memref<8192xf32, #tpu.memory_space<hbm>>
    %dma_wait3A_164 = arith.constant 0 : i32
    %dma_wait3A_165 = tpu.memref_slice %arg11[%dma_wait3A_164] : memref<8192xf32, #tpu.memory_space<vmem>> -> memref<8192xf32, #tpu.memory_space<vmem>>
    tpu.wait_dma2 semaphore(%arg15 : memref<!tpu.dma_semaphore, #tpu.memory_space<semaphore_mem>>) src(%dma_wait3A_165 : memref<8192xf32, #tpu.memory_space<vmem>>) dst(%dma_wait3A_163 : memref<8192xf32, #tpu.memory_space<hbm>>)
    %dma_wait3A_166 = arith.constant 0 : i32
    %dma_wait3A_167 = tpu.memref_slice %arg12[%dma_wait3A_166] : memref<8192xf32, #tpu.memory_space<vmem>> -> memref<8192xf32, #tpu.memory_space<vmem>>
    %dma_wait3A_168 = tpu.memref_slice %arg5[%add3A_153] : memref<1048576xf32, #tpu.memory_space<hbm>> -> memref<8192xf32, #tpu.memory_space<hbm>>
    %dma_wait3A_169 = tpu.memref_slice %arg5[%add3A_153] : memref<1048576xf32, #tpu.memory_space<hbm>> -> memref<8192xf32, #tpu.memory_space<hbm>>
    %dma_wait3A_170 = arith.constant 0 : i32
    %dma_wait3A_171 = tpu.memref_slice %arg12[%dma_wait3A_170] : memref<8192xf32, #tpu.memory_space<vmem>> -> memref<8192xf32, #tpu.memory_space<vmem>>
    tpu.wait_dma2 semaphore(%arg16 : memref<!tpu.dma_semaphore, #tpu.memory_space<semaphore_mem>>) src(%dma_wait3A_171 : memref<8192xf32, #tpu.memory_space<vmem>>) dst(%dma_wait3A_169 : memref<8192xf32, #tpu.memory_space<hbm>>)
    return
  }
}

</mosaic_0001>

<sc_bundles>
// kernel: kernel.3.cloned.1.call-start
scs
__scs_entry_jumppad:
0x0: {  	(pc) =	sbr.rel $0x88, $3  }
0x1: {  	(tag) =	ssettag $0x0;
	lr =	simm.s32 $0x1  }
0x2: {  	[smem:$0x3F9E] =	sst lr;
	_ =	strace $0xD0000000  }
0x3: {  	_ = 	snop  }
0x4: {  	_ = 	snop  }
0x5: {  	_ = 	snop  }
0x6: {  	_ = 	snop  }
0x7: {  	_ = 	snop  }
__scs_overlays_trampoline_lowered:
0x8: {  	[smem:$0x3FAD] =	sst s0  }
0x9: {  	[smem:$0x3FAE] =	sst s1  }
0xa: {  	[smem:$0x3FAF] =	sst s2  }
0xb: {  	[smem:$0x3FB0] =	sst s3  }
0xc: {  	[smem:$0x3FB1] =	sst s4  }
0xd: {  	[smem:$0x3FB2] =	sst s5  }
0xe: {  	[smem:$0x3FB3] =	sst s6  }
0xf: {  	[smem:$0x3FB4] =	sst s7  }
0x10: {  	[smem:$0x3FB5] =	sst s8  }
0x11: {  	[smem:$0x3FB6] =	sst s9;
	s0 =	simm.s32 @!p0 $0x0  }
0x12: {  	s1 =	sld [smem:$0x3F9C];
	s0 =	simm.s32 @p0 $0x1  }
0x13: {  	[smem:$0x3FB7] =	sst s0;
	s0 =	simm.s32 @!p1 $0x0  }
0x14: {  	s2 =	sld [smem:$0x3F9B];
	s0 =	simm.s32 @p1 $0x1  }
0x15: {  	[smem:$0x3FB8] =	sst s0;
	s0 =	simm.s32 @!p2 $0x0  }
0x16: {  	s3 =	sld [smem:$0x3FDB];
	s0 =	simm.s32 @p2 $0x1  }
0x17: {  	s4 =	simm.s32 $0x1BF5;
	[smem:$0x3FBA] =	sst s0  }
0x18: {  	s0 =	sld [smem:$0x3F9D];
	_ =	swait.ge [sflag:s4], $0x0  }
0x19: {  	s7 =	sld [smem:$0x3F9E]  }
0x1a: {  	s8 =	sadd.s32 $0xFFFFE003, lr  }
0x1b: {  	s9 =	sadd.s32 $0xFFFFFEF7, lr;
	s5 =	simm.s32 $0xFFFFFFFF;
	p2 =	slt.u32 s8, $0xFFFFF086  }
0x1c: {  	p1 =	slt.u32 s9, $0xF7A;
	s5 =	simm.s32 @!p2 $0x0  }
0x1d: {  	s5 =	simm.s32 @p1 $0x1;
	p0 =	seq.s32 s7, s2  }
0x1e: {  	s7 =	smul.u32 @!p0 $0xF7A, s2;
	p2 =	seq.s32 @!p0 s5, $0x0  }
0x1f: {  	s9 =	smul.u32 $0xF7A, s1;
	s8 =	simm.s32 @!p0 $0x1BF5;
	p2 =	por !p2, p0  }
0x20: {  	[sflag:s8] =	ssyncset.s32 @!p0 $0xFFFFF086;
	s6 =	sadd.s32 @!p0 s3, s7;
	s7 =	simm.s32 @!p0 $0x108  }
0x21: {  	s3 =	sadd.s32 s3, s9;
	s6 =	sadd.s32 @!p0 $0x88, s6;
	s7 =	simm.s32 @p2 $0x1082  }
0x22: {  	[simem:s7], [sflag:s8] =	dma.local @!p0 [hbm:s6], $0xF7A  }
0x23: {  	s9 =	sor.u32 $0xD0000000, s2;
	s6 =	simm.s32 $0x108;
	_ =	swait.ge @!p0 [sflag:s8], $0x0  }
0x24: {  	s3 =	sadd.s32 $0x88, s3;
	s6 =	simm.s32 @!p1 $0x1082;
	[sflag:s4] =	ssyncset.s32 $0xFFFFF086  }
0x25: {  	[simem:s6], [sflag:s4] =	dma.local [hbm:s3], $0xF7A  }
0x26: {  	[smem:$0x3F9E] =	sst s1;
	(tag) =	ssettag s2;
	_ =	strace s9  }
0x27: {  	s1 =	sld [smem:$0x3FAE]  }
0x28: {  	s2 =	sld [smem:$0x3FAF]  }
0x29: {  	s4 =	sld [smem:$0x3FB1]  }
0x2a: {  	p0 =	seq.s32 s5, $0x0;
	s5 =	sld [smem:$0x3FB2]  }
0x2b: {  	s6 =	sld [smem:$0x3FB3]  }
0x2c: {  	s7 =	sld [smem:$0x3FB4]  }
0x2d: {  	s3 =	simm.s32 $0x108;
	s8 =	sld [smem:$0x3FB5]  }
0x2e: {  	s3 =	simm.s32 @!p0 $0x1082;
	s9 =	sld [smem:$0x3FB6]  }
0x2f: {  	lr =	sadd.s32 s0, s3;
	s0 =	sld [smem:$0x3FAD]  }
0x30: {  	s3 =	sld [smem:$0x3FB0]  }
0x31: {  	[smem:$0x3FB9] =	sst s10  }
0x32: {  	s10 =	sld [smem:$0x3FB7];
	_ =	sdelay $0x3  }
0x33: {  	p0 =	seq.s32 s10, $0x1;
	s10 =	sld [smem:$0x3FB9];
	_ =	sdelay $0x3  }
0x34: {  	[smem:$0x3FB9] =	sst s10  }
0x35: {  	s10 =	sld [smem:$0x3FB8];
	_ =	sdelay $0x3  }
0x36: {  	p1 =	seq.s32 s10, $0x1;
	s10 =	sld [smem:$0x3FB9];
	_ =	sdelay $0x3  }
0x37: {  	[smem:$0x3FB9] =	sst s10  }
0x38: {  	s10 =	sld [smem:$0x3FBA]  }
0x39: {  	_ = 	snop;
	(pc) =	sbr.ind lr, $3  }
0x3a: {  	_ = 	snop  }
0x3b: {  	_ = 	snop  }
0x3c: {  	p2 =	seq.s32 s10, $0x1;
	s10 =	sld [smem:$0x3FB9]  }
0x3d: {  	_ =	shalt  }
0x3e: {  	_ =	shalt  }
0x3f: {  	_ =	shalt  }
0x40: {  	_ =	shalt  }
0x41: {  	_ =	shalt  }
0x42: {  	_ =	shalt  }
0x43: {  	_ =	shalt  }
0x44: {  	_ =	shalt  }
0x45: {  	_ =	shalt  }
0x46: {  	_ =	shalt  }
0x47: {  	_ =	shalt  }
0x48: {  	_ =	shalt  }
0x49: {  	_ =	shalt  }
0x4a: {  	_ =	shalt  }
0x4b: {  	_ =	shalt  }
0x4c: {  	_ =	shalt  }
0x4d: {  	_ =	shalt  }
0x4e: {  	_ =	shalt  }
0x4f: {  	_ =	shalt  }
0x50: {  	_ =	shalt  }
0x51: {  	_ =	shalt  }
0x52: {  	_ =	shalt  }
0x53: {  	_ =	shalt  }
0x54: {  	_ =	shalt  }
0x55: {  	_ =	shalt  }
0x56: {  	_ =	shalt  }
0x57: {  	_ =	shalt  }
0x58: {  	_ =	shalt  }
0x59: {  	_ =	shalt  }
0x5a: {  	_ =	shalt  }
0x5b: {  	_ =	shalt  }
0x5c: {  	_ =	shalt  }
0x5d: {  	_ =	shalt  }
0x5e: {  	_ =	shalt  }
0x5f: {  	_ =	shalt  }
0x60: {  	_ =	shalt  }
0x61: {  	_ =	shalt  }
0x62: {  	_ =	shalt  }
0x63: {  	_ =	shalt  }
0x64: {  	_ =	shalt  }
0x65: {  	_ =	shalt  }
0x66: {  	_ =	shalt  }
0x67: {  	_ =	shalt  }
0x68: {  	_ =	shalt  }
0x69: {  	_ =	shalt  }
0x6a: {  	_ =	shalt  }
0x6b: {  	_ =	shalt  }
0x6c: {  	_ =	shalt  }
0x6d: {  	_ =	shalt  }
0x6e: {  	_ =	shalt  }
0x6f: {  	_ =	shalt  }
0x70: {  	_ =	shalt  }
0x71: {  	_ =	shalt  }
0x72: {  	_ =	shalt  }
0x73: {  	_ =	shalt  }
0x74: {  	_ =	shalt  }
0x75: {  	_ =	shalt  }
0x76: {  	_ =	shalt  }
0x77: {  	_ =	shalt  }
0x78: {  	_ =	shalt  }
0x79: {  	_ =	shalt  }
0x7a: {  	_ =	shalt  }
0x7b: {  	_ =	shalt  }
0x7c: {  	_ =	shalt  }
0x7d: {  	_ =	shalt  }
0x7e: {  	_ =	shalt  }
0x7f: {  	_ =	shalt  }
0x80: {  	_ =	shalt  }
0x81: {  	_ =	shalt  }
0x82: {  	_ =	shalt  }
0x83: {  	_ =	shalt  }
0x84: {  	_ =	shalt  }
0x85: {  	_ =	shalt  }
0x86: {  	_ =	shalt  }
0x87: {  	_ =	shalt  }
.Lfunc_end0:
.L_simem_size_0:
called_computation_lowered:
.L_overlay_start_0:
0x88: {  	s2 =	sld [smem:$0x3FD9]  }
0x89: {  	s3 =	sld [smem:$0x3FFE];
	_ =	sdelay $0x1  }
0x8a: {  	s1 =	srdreg.scid  }
0x8b: {  	s0 =	sand.u32 $0x1, s1  }
0x8c: {  	s17 =	sshll.u32 s0, $0xA;
	s2 =	sadd.s32 s3, s2  }
0x8d: {  	s2 =	sadd.s32 s2, s17  }
0x8e: {  	[smem:$0x3FC5] =	sst s2  }
0x8f: {  	_ = 	snop  }
0x90: {  	s2 =	sld [smem:$0x3FC9]  }
0x91: {  	s18 =	sld [smem:$0x3FC8]  }
0x92: {  	s4 =	sld [smem:$0x3FD0];
	(tm) =	ssettm $0x1  }
0x93: {  	s5 =	sld [smem:$0x3FFB];
	_ =	sdelay $0x3  }
0x94: {  	_ =	strace s5  }
0x95: {  	s5 =	sld [smem:$0x3FFC];
	_ =	sdelay $0x3  }
0x96: {  	_ =	strace s5  }
0x97: {  	s5 =	sld [smem:$0x3FFD];
	_ =	sdelay $0x3  }
0x98: {  	_ =	strace s5  }
0x99: {  	_ =	strace $0x8FFFFFFF  }
0x9a: {  	s19 =	sld [smem:$0x3FDB];
	_ =	sdelay $0x1  }
0x9b: {  	s6 =	simm.s32 $_scs_section_size  }
0x9c: {  	s7 =	simm.s32 $_size__tile_overlayer_lowered;
	s8 =	simm.s32 $_tile_overlayer_lowered  }
0x9d: {  	s22 =	simm.s32 $0x1BFF;
	s21 =	sshll.u32 s8, $0x1;
	s5 =	sadd.s32 s6, s19  }
0x9e: {  	s9 =	simm.s32 $0x0;
	s20 =	sshll.u32 s7, $0x1;
	s7 =	sadd.s32 s21, s5  }
0x9f: {  	[timem:s9], [sflag:s22] =	dma.local [hbm:s7], s20  }
0xa0: {  	_ =	swait.ge [sflag:s22], s20  }
0xa1: {  	s6 =	ssub.s32 $0x0, s20;
	[sflag:s22] =	ssyncset.done $0x0  }
0xa2: {  	[sflag:s22] =	ssyncadd.s32 s6;
	_ =	sdelay $0x1  }
0xa3: {  	s23 =	simm.s32 $0x1B8B  }
0xa4: {  	_ =	swait.ge [sflag:s23], $0x1  }
0xa5: {  	[sflag:s23] =	ssyncset.done $0x0  }
0xa6: {  	s25 =	simm.s32 $0x1B8E;
	s24 =	sld [smem:$0x3FFE];
	[sflag:s23] =	ssyncadd.s32 $0xFFFFFFFF  }
0xa7: {  	s26 =	simm.s32 $execute0_lowered;
	[smem:$0x3FD2] =	sst s25  }
0xa8: {  	s7 =	sshll.u32 s26, $0x1;
	_ =	strace $0x80000046;
	[dreg:$0x1] =	wrdreg $0xFFFFFFFF  }
0xa9: {  	s28 =	simm.s32 $_size_execute0_lowered;
	s5 =	sadd.s32 s5, s7;
	[dreg:$0x0] =	wrdreg $0x0  }
0xaa: {  	s7 =	sshll.u32 s28, $0x1;
	[dreg:$0x2] =	wrdreg s5  }
0xab: {  	[dreg:$0x3] =	wrdreg s7  }
0xac: {  	[dreg:$0x4] =	wrdreg $0xC0  }
0xad: {  	_ =	task [dreg:s9], $0x5FFFF  }
0xae: {  	[dreg:$0x1] =	wrdreg $0xFFFFFFFF  }
0xaf: {  	[dreg:$0x0] =	wrdreg $0x60  }
0xb0: {  	[dreg:$0x2] =	wrdreg s2  }
0xb1: {  	[dreg:$0x3] =	wrdreg s18  }
0xb2: {  	[dreg:$0x4] =	wrdreg s24  }
0xb3: {  	[dreg:$0x5] =	wrdreg s4  }
0xb4: {  	[dreg:$0x6] =	wrdreg $0x9  }
0xb5: {  	_ =	task.clear_ibuf [dreg:s9], $0x7FFFF;
	_ =	strace $0x90000046  }
0xb6: {  	s29 =	simm.s32 $0x9;
	_ =	strace $0x80000048  }
0xb7: {  	_ =	swait.ge [sflag:s29], $0x1  }
0xb8: {  	[sflag:s29] =	ssyncadd.s32 $0xFFFFFFFF  }
0xb9: {  	_ =	strace $0x90000048  }
0xba: {  	_ =	sfence  }
0xbb: {  	s30 =	sld [smem:$0x0];
	_ =	sdelay $0x2  }
0xbc: {  	s31 =	sshll.u32 s1, $0xD;
	s1 =	sshrl.u32 s1, $0x2  }
0xbd: {  	s3 =	sand.u32 $0x4000, s31;
	s1 =	sadd.s32 s1, s30  }
0xbe: {  	s0 =	sor.u32 s3, s0;
	s1 =	sshll.u32 s1, $0x11  }
0xbf: {  	s0 =	sor.u32 s1, s0  }
0xc0: {  	s0 =	sadd.s32 $0x8F2B, s0  }
0xc1: {  	[sflag:s0] =	ssyncadd.remote.s32 $0x1  }
0xc2: {  	_ =	sfence.sel $0xFFFF  }
0xc3: {  	[dreg:$0x0] =	wrdreg $0xFFFFFFFF;
	(pc) =	sbr.abs _section_cstart, $3  }
0xc4: {  	[dreg:$0x1] =	wrdreg $0xFFFFFFFF  }
0xc5: {  	_ =	task.clear_ibuf [dreg:s9], $0x2FFFF;
	_ =	strace $0x9FFFFFFF  }
0xc6: {  	(tm) =	ssettm $0x7FFFFFFF  }
0xc7: {  	_ =	shalt  }
tec
execute0_lowered:
.L_overlay_start_1:
0x0: {  	(tag) =	ssettag $0x1  }
0x1: {  	s0 =	rddreg [dreg:$0x0]  }
0x2: {  	s1 =	rddreg [dreg:$0x1]  }
0x3: {  	s3 =	rddreg [dreg:$0x2]  }
0x4: {  	s15 =	rddreg [dreg:$0x3];
	s2 =	simm.s32 $0x0;
	s4 =	srdreg.scid  }
0x5: {  	s6 =	stileid.u32;
	s18 =	simm.s32 $0x4080;
	s19 =	simm.s32 $0x5  }
0x6: {  	s20 =	simm.s32 $0x2080;
	s21 =	simm.s32 $0x6080;
	s22 =	simm.s32 $0x1  }
0x7: {  	s23 =	simm.s32 $0x8080;
	s24 =	simm.s32 $0x2;
	s25 =	simm.s32 $0xA080  }
0x8: {  	s26 =	simm.s32 $0x3;
	s28 =	simm.s32 $0x4;
	s29 =	simm.s32 $0x0  }
0x9: {  	[smem:$0x7FF] =	sst s2;
	s4 =	sand.u32 $0x1, s4;
	s6 =	sshll.u32 s6, $0xD  }
0xa: {  	s3 =	sadd.s32 $0x400, s3;
	s5 =	ssub.s32 $0x2, s4;
	s4 =	sshll.u32 s4, $0xC  }
0xb: {  	_ =	strace $0x80000047;
	s7 =	sshrl.u32 s5, $0x1;
	s11 =	sor.u32 s4, s6  }
0xc: {  	s16 =	ssub.s32 s5, s7;
	s12 =	sor.u32 $0x400, s11;
	s4 =	sadd.s32 s1, s11  }
0xd: {  	s5 =	sadd.s32 s0, s11;
	s8 =	sadd.s32 s15, s11;
	s14 =	sor.u32 $0x800, s11  }
0xe: {  	s17 =	sor.u32 $0xC00, s11;
	s6 =	sadd.s32 s1, s12;
	s7 =	sadd.s32 s0, s12  }
0xf: {  	s9 =	sadd.s32 s1, s14;
	s10 =	sadd.s32 s0, s14;
	s11 =	sadd.s32 s15, s12  }
0x10: {  	s12 =	sadd.s32 s1, s17;
	s13 =	sadd.s32 s0, s17;
	s14 =	sadd.s32 s15, s14  }
0x11: {  	s15 =	sadd.s32 s15, s17;
	s16 =	smax.u32 s16, $0x1;
	s17 =	simm.s32 $0x80  }
.LBB2_1:
0x12: {  	[tilespmem:s17], [sflag:$0x1] =	stream.linear.gather [hbm4b:s4+s2], $0x2000, $0x38;
	[tilespmem:$0xC080] =	vst v63  }
0x13: {  	_ = 	snop  }
0x14: {  	[tilespmem:s18], [sflag:$0x1] =	stream.linear.gather [hbm4b:s5+s2], $0x2000, $0x38;
	[tilespmem:$0xC080] =	vst v63  }
0x15: {  	_ = 	snop  }
0x16: {  	[tilespmem:s2], [sflag:$0x5] =	stream.linear.gather [hbm4b:s3+s2], $0x80, $0x38;
	[tilespmem:$0xC080] =	vst v63  }
0x17: {  	_ =	swait.ge [sflag:s19], $0x80  }
0x18: {  	[sflag:s19] =	ssyncset.done $0x0  }
0x19: {  	[sflag:s19] =	ssyncadd.s32 $0xFFFFFF80  }
0x1a: {  	[tilespmem:s20], [sflag:$0x2] =	stream.linear.gather [hbm4b:s6+s2], $0x2000, $0x38;
	[tilespmem:$0xC080] =	vst v63  }
0x1b: {  	_ = 	snop  }
0x1c: {  	[tilespmem:s21], [sflag:$0x2] =	stream.linear.gather [hbm4b:s7+s2], $0x2000, $0x38;
	[tilespmem:$0xC080] =	vst v63  }
0x1d: {  	_ =	swait.ge [sflag:s22], $0x2000  }
0x1e: {  	[sflag:s22] =	ssyncset.done $0x0  }
0x1f: {  	[sflag:s22] =	ssyncadd.s32 $0xFFFFE000  }
0x20: {  	_ =	swait.ge [sflag:s22], $0x2000  }
0x21: {  	[sflag:s22] =	ssyncset.done $0x0  }
0x22: {  	s0 =	simm.s32 $0xC0;
	[sflag:s22] =	ssyncadd.s32 $0xFFFFE000  }
0x23: {  	v0 =	vld [tilespmem:s0+$0x30]  }
0x24: {  	v1 =	vld [tilespmem:s0+$0xFFFFFFD0]  }
0x25: {  	v2 =	vld [tilespmem:s0+$0xFFFFFFE0]  }
0x26: {  	v3 =	vld [tilespmem:s0+$0xFFFFFFF0]  }
0x27: {  	v5 =	vld [tilespmem:s0+$0x0]  }
0x28: {  	v6 =	vld [tilespmem:s0+$0x10]  }
0x29: {  	v7 =	vld [tilespmem:s0+$0x20]  }
0x2a: {  	s30 =	simm.s32 $0x40C0;
	v8 =	vld [tilespmem:s0+$0xFFFFFFC0]  }
0x2b: {  	v11 =	vld [tilespmem:s30+$0x30]  }
0x2c: {  	v14 =	vld [tilespmem:s30+$0xFFFFFFD0]  }
0x2d: {  	v9 =	vld [tilespmem:s30+$0xFFFFFFE0]  }
0x2e: {  	v10 =	vld.idx.msk [tilespmem:v0+s2+$0x0], $0xffff  }
0x2f: {  	v12 =	vld.idx.msk [tilespmem:v1+s2+$0x0], $0xffff  }
0x30: {  	v4 =	vld.idx.msk [tilespmem:v2+s2+$0x0], $0xffff  }
0x31: {  	v3 =	vld.idx.msk [tilespmem:v3+s2+$0x0], $0xffff  }
0x32: {  	v13 =	vld.idx.msk [tilespmem:v8+s2+$0x0], $0xffff  }
0x33: {  	v1 =	vld.idx.msk [tilespmem:v7+s2+$0x0], $0xffff  }
0x34: {  	v7 =	vld [tilespmem:s30+$0xFFFFFFC0]  }
0x35: {  	v2 =	vld.idx.msk [tilespmem:v5+s2+$0x0], $0xffff  }
0x36: {  	v0 =	vld.idx.msk [tilespmem:v6+s2+$0x0], $0xffff  }
0x37: {  	v8 =	vld [tilespmem:s30+$0xFFFFFFF0]  }
0x38: {  	v6 =	vld [tilespmem:s30+$0x0];
	v10 =	vsub.f32 v11, v10  }
0x39: {  	s31 =	simm.s32 $0x80C0;
	v5 =	vld [tilespmem:s30+$0x10];
	v11 =	vsub.f32 v7, v13  }
0x3a: {  	s1 =	simm.s32 $0x140;
	s0 =	simm.s32 $0x0;
	v7 =	vld [tilespmem:s30+$0x20];
	[tilespmem:s31+$0x30] =	vst v10;
	v10 =	vsub.f32 v14, v12  }
.LBB2_2:
0x3b: {  	v12 =	vld [tilespmem:s1+$0x30];
	s0 =	sadd.s32 $0x80, s0;
	[tilespmem:s31+$0xFFFFFFC0] =	vst v11;
	v4 =	vsub.f32 v9, v4  }
0x3c: {  	v9 =	vld [tilespmem:s1+$0xFFFFFFD0];
	p0 =	slt.u32 s0, $0x1F80;
	[tilespmem:s31+$0xFFFFFFD0] =	vst v10;
	v3 =	vsub.f32 v8, v3  }
0x3d: {  	v8 =	vld [tilespmem:s1+$0xFFFFFFE0];
	[tilespmem:s31+$0xFFFFFFE0] =	vst v4;
	v2 =	vsub.f32 v6, v2  }
0x3e: {  	v6 =	vld [tilespmem:s1+$0xFFFFFFF0];
	[tilespmem:s31+$0xFFFFFFF0] =	vst v3;
	v0 =	vsub.f32 v5, v0  }
0x3f: {  	v5 =	vld [tilespmem:s1+$0x0];
	[tilespmem:s31+$0x0] =	vst v2;
	v1 =	vsub.f32 v7, v1  }
0x40: {  	v7 =	vld [tilespmem:s1+$0x10];
	[tilespmem:s31+$0x10] =	vst v0  }
0x41: {  	v10 =	vld [tilespmem:s1+$0x20];
	[tilespmem:s31+$0x20] =	vst v1  }
0x42: {  	v1 =	vld [tilespmem:s1+$0xFFFFFFC0]  }
0x43: {  	s30 =	sadd.s32 $0x80, s30;
	v11 =	vld.idx.msk [tilespmem:v12+s2+$0x0], $0xffff  }
0x44: {  	v12 =	vld [tilespmem:s30+$0x30]  }
0x45: {  	v13 =	vld.idx.msk [tilespmem:v9+s2+$0x0], $0xffff  }
0x46: {  	v4 =	vld.idx.msk [tilespmem:v8+s2+$0x0], $0xffff  }
0x47: {  	v3 =	vld.idx.msk [tilespmem:v6+s2+$0x0], $0xffff  }
0x48: {  	v2 =	vld.idx.msk [tilespmem:v5+s2+$0x0], $0xffff  }
0x49: {  	v0 =	vld.idx.msk [tilespmem:v7+s2+$0x0], $0xffff;
	v5 =	vsub.f32 v12, v11  }
0x4a: {  	s31 =	sadd.s32 $0x80, s31;
	v7 =	vld.idx.msk [tilespmem:v1+s2+$0x0], $0xffff  }
0x4b: {  	v1 =	vld.idx.msk [tilespmem:v10+s2+$0x0], $0xffff;
	[tilespmem:s31+$0x30] =	vst v5  }
0x4c: {  	v5 =	vld [tilespmem:s30+$0xFFFFFFC0]  }
0x4d: {  	v10 =	vld [tilespmem:s30+$0xFFFFFFD0]  }
.Ltmp0:
0x4e: {  	v9 =	vld [tilespmem:s30+$0xFFFFFFE0];
	(pc) =	sbr.rel @p0 .LBB2_2-.Ltmp0, $4  }
0x4f: {  	v8 =	vld [tilespmem:s30+$0xFFFFFFF0]  }
0x50: {  	v6 =	vld [tilespmem:s30+$0x0]  }
0x51: {  	v11 =	vsub.f32 v5, v7;
	v5 =	vld [tilespmem:s30+$0x10]  }
0x52: {  	s1 =	sadd.s32 $0x80, s1;
	v10 =	vsub.f32 v10, v13;
	v7 =	vld [tilespmem:s30+$0x20]  }
0x53: {  	[tilespmem:s31+$0xFFFFFFC0] =	vst v11;
	v4 =	vsub.f32 v9, v4  }
0x54: {  	[tilespmem:s31+$0xFFFFFFD0] =	vst v10;
	v3 =	vsub.f32 v8, v3  }
0x55: {  	[tilespmem:s31+$0xFFFFFFE0] =	vst v4;
	v2 =	vsub.f32 v6, v2  }
0x56: {  	[tilespmem:s31+$0xFFFFFFF0] =	vst v3;
	v0 =	vsub.f32 v5, v0  }
0x57: {  	[tilespmem:s31+$0x0] =	vst v2;
	v1 =	vsub.f32 v7, v1  }
0x58: {  	[tilespmem:s31+$0x10] =	vst v0  }
0x59: {  	[tilespmem:s31+$0x20] =	vst v1  }
0x5a: {  	[hbm4b:s8+s2] =	stream.linear.scatter [tilespmem:s23], [sflag:$0x3], $0x2000, $0x38;
	[tilespmem:$0xC080] =	vst v63  }
0x5b: {  	_ = 	snop  }
0x5c: {  	[tilespmem:s17], [sflag:$0x1] =	stream.linear.gather [hbm4b:s9+s2], $0x2000, $0x38;
	[tilespmem:$0xC080] =	vst v63  }
0x5d: {  	_ = 	snop  }
0x5e: {  	[tilespmem:s18], [sflag:$0x1] =	stream.linear.gather [hbm4b:s10+s2], $0x2000, $0x38;
	[tilespmem:$0xC080] =	vst v63  }
0x5f: {  	_ =	swait.ge [sflag:s24], $0x2000  }
0x60: {  	[sflag:s24] =	ssyncset.done $0x0  }
0x61: {  	[sflag:s24] =	ssyncadd.s32 $0xFFFFE000  }
0x62: {  	_ =	swait.ge [sflag:s24], $0x2000  }
0x63: {  	[sflag:s24] =	ssyncset.done $0x0  }
0x64: {  	s0 =	simm.s32 $0x20C0;
	[sflag:s24] =	ssyncadd.s32 $0xFFFFE000  }
0x65: {  	v0 =	vld [tilespmem:s0+$0x30]  }
0x66: {  	v1 =	vld [tilespmem:s0+$0xFFFFFFD0]  }
0x67: {  	v2 =	vld [tilespmem:s0+$0xFFFFFFE0]  }
0x68: {  	v3 =	vld [tilespmem:s0+$0xFFFFFFF0]  }
0x69: {  	v5 =	vld [tilespmem:s0+$0x0]  }
0x6a: {  	v6 =	vld [tilespmem:s0+$0x10]  }
0x6b: {  	v7 =	vld [tilespmem:s0+$0x20]  }
0x6c: {  	s30 =	simm.s32 $0x60C0;
	v8 =	vld [tilespmem:s0+$0xFFFFFFC0]  }
0x6d: {  	v11 =	vld [tilespmem:s30+$0x30]  }
0x6e: {  	v14 =	vld [tilespmem:s30+$0xFFFFFFD0]  }
0x6f: {  	v9 =	vld [tilespmem:s30+$0xFFFFFFE0]  }
0x70: {  	v10 =	vld.idx.msk [tilespmem:v0+s2+$0x0], $0xffff  }
0x71: {  	v12 =	vld.idx.msk [tilespmem:v1+s2+$0x0], $0xffff  }
0x72: {  	v4 =	vld.idx.msk [tilespmem:v2+s2+$0x0], $0xffff  }
0x73: {  	v3 =	vld.idx.msk [tilespmem:v3+s2+$0x0], $0xffff  }
0x74: {  	v13 =	vld.idx.msk [tilespmem:v8+s2+$0x0], $0xffff  }
0x75: {  	v1 =	vld.idx.msk [tilespmem:v7+s2+$0x0], $0xffff  }
0x76: {  	v7 =	vld [tilespmem:s30+$0xFFFFFFC0]  }
0x77: {  	v2 =	vld.idx.msk [tilespmem:v5+s2+$0x0], $0xffff  }
0x78: {  	v0 =	vld.idx.msk [tilespmem:v6+s2+$0x0], $0xffff  }
0x79: {  	v8 =	vld [tilespmem:s30+$0xFFFFFFF0]  }
0x7a: {  	v6 =	vld [tilespmem:s30+$0x0];
	v10 =	vsub.f32 v11, v10  }
0x7b: {  	s31 =	simm.s32 $0xA0C0;
	v5 =	vld [tilespmem:s30+$0x10];
	v11 =	vsub.f32 v7, v13  }
0x7c: {  	s1 =	simm.s32 $0x2140;
	s0 =	simm.s32 $0x0;
	v7 =	vld [tilespmem:s30+$0x20];
	[tilespmem:s31+$0x30] =	vst v10;
	v10 =	vsub.f32 v14, v12  }
.LBB2_4:
0x7d: {  	v12 =	vld [tilespmem:s1+$0x30];
	s0 =	sadd.s32 $0x80, s0;
	[tilespmem:s31+$0xFFFFFFC0] =	vst v11;
	v4 =	vsub.f32 v9, v4  }
0x7e: {  	v9 =	vld [tilespmem:s1+$0xFFFFFFD0];
	p0 =	slt.u32 s0, $0x1F80;
	[tilespmem:s31+$0xFFFFFFD0] =	vst v10;
	v3 =	vsub.f32 v8, v3  }
0x7f: {  	v8 =	vld [tilespmem:s1+$0xFFFFFFE0];
	[tilespmem:s31+$0xFFFFFFE0] =	vst v4;
	v2 =	vsub.f32 v6, v2  }
0x80: {  	v6 =	vld [tilespmem:s1+$0xFFFFFFF0];
	[tilespmem:s31+$0xFFFFFFF0] =	vst v3;
	v0 =	vsub.f32 v5, v0  }
0x81: {  	v5 =	vld [tilespmem:s1+$0x0];
	[tilespmem:s31+$0x0] =	vst v2;
	v1 =	vsub.f32 v7, v1  }
0x82: {  	v7 =	vld [tilespmem:s1+$0x10];
	[tilespmem:s31+$0x10] =	vst v0  }
0x83: {  	v10 =	vld [tilespmem:s1+$0x20];
	[tilespmem:s31+$0x20] =	vst v1  }
0x84: {  	v1 =	vld [tilespmem:s1+$0xFFFFFFC0]  }
0x85: {  	s30 =	sadd.s32 $0x80, s30;
	v11 =	vld.idx.msk [tilespmem:v12+s2+$0x0], $0xffff  }
0x86: {  	v12 =	vld [tilespmem:s30+$0x30]  }
0x87: {  	v13 =	vld.idx.msk [tilespmem:v9+s2+$0x0], $0xffff  }
0x88: {  	v4 =	vld.idx.msk [tilespmem:v8+s2+$0x0], $0xffff  }
0x89: {  	v3 =	vld.idx.msk [tilespmem:v6+s2+$0x0], $0xffff  }
0x8a: {  	v2 =	vld.idx.msk [tilespmem:v5+s2+$0x0], $0xffff  }
0x8b: {  	v0 =	vld.idx.msk [tilespmem:v7+s2+$0x0], $0xffff;
	v5 =	vsub.f32 v12, v11  }
0x8c: {  	s31 =	sadd.s32 $0x80, s31;
	v7 =	vld.idx.msk [tilespmem:v1+s2+$0x0], $0xffff  }
0x8d: {  	v1 =	vld.idx.msk [tilespmem:v10+s2+$0x0], $0xffff;
	[tilespmem:s31+$0x30] =	vst v5  }
0x8e: {  	v5 =	vld [tilespmem:s30+$0xFFFFFFC0]  }
0x8f: {  	v10 =	vld [tilespmem:s30+$0xFFFFFFD0]  }
.Ltmp1:
0x90: {  	v9 =	vld [tilespmem:s30+$0xFFFFFFE0];
	(pc) =	sbr.rel @p0 .LBB2_4-.Ltmp1, $4  }
0x91: {  	v8 =	vld [tilespmem:s30+$0xFFFFFFF0]  }
0x92: {  	v6 =	vld [tilespmem:s30+$0x0]  }
0x93: {  	v11 =	vsub.f32 v5, v7;
	v5 =	vld [tilespmem:s30+$0x10]  }
0x94: {  	s1 =	sadd.s32 $0x80, s1;
	v10 =	vsub.f32 v10, v13;
	v7 =	vld [tilespmem:s30+$0x20]  }
0x95: {  	[tilespmem:s31+$0xFFFFFFC0] =	vst v11;
	v4 =	vsub.f32 v9, v4  }
0x96: {  	[tilespmem:s31+$0xFFFFFFD0] =	vst v10;
	v3 =	vsub.f32 v8, v3  }
0x97: {  	[tilespmem:s31+$0xFFFFFFE0] =	vst v4;
	v2 =	vsub.f32 v6, v2  }
0x98: {  	[tilespmem:s31+$0xFFFFFFF0] =	vst v3;
	v0 =	vsub.f32 v5, v0  }
0x99: {  	[tilespmem:s31+$0x0] =	vst v2;
	v1 =	vsub.f32 v7, v1  }
0x9a: {  	[tilespmem:s31+$0x10] =	vst v0  }
0x9b: {  	[tilespmem:s31+$0x20] =	vst v1  }
0x9c: {  	[hbm4b:s11+s2] =	stream.linear.scatter [tilespmem:s25], [sflag:$0x4], $0x2000, $0x38;
	[tilespmem:$0xC080] =	vst v63  }
0x9d: {  	_ = 	snop  }
0x9e: {  	[tilespmem:s20], [sflag:$0x2] =	stream.linear.gather [hbm4b:s12+s2], $0x2000, $0x38;
	[tilespmem:$0xC080] =	vst v63  }
0x9f: {  	_ = 	snop  }
0xa0: {  	[tilespmem:s21], [sflag:$0x2] =	stream.linear.gather [hbm4b:s13+s2], $0x2000, $0x38;
	[tilespmem:$0xC080] =	vst v63  }
0xa1: {  	_ =	swait.ge [sflag:s22], $0x2000  }
0xa2: {  	[sflag:s22] =	ssyncset.done $0x0  }
0xa3: {  	[sflag:s22] =	ssyncadd.s32 $0xFFFFE000  }
0xa4: {  	_ =	swait.ge [sflag:s22], $0x2000  }
0xa5: {  	[sflag:s22] =	ssyncset.done $0x0  }
0xa6: {  	[sflag:s22] =	ssyncadd.s32 $0xFFFFE000  }
0xa7: {  	_ =	swait.ge [sflag:s26], $0x2000  }
0xa8: {  	[sflag:s26] =	ssyncset.done $0x0  }
0xa9: {  	s0 =	simm.s32 $0xC0;
	[sflag:s26] =	ssyncadd.s32 $0xFFFFE000  }
0xaa: {  	v0 =	vld [tilespmem:s0+$0x30]  }
0xab: {  	v1 =	vld [tilespmem:s0+$0xFFFFFFD0]  }
0xac: {  	v2 =	vld [tilespmem:s0+$0xFFFFFFE0]  }
0xad: {  	v3 =	vld [tilespmem:s0+$0xFFFFFFF0]  }
0xae: {  	v5 =	vld [tilespmem:s0+$0x0]  }
0xaf: {  	v6 =	vld [tilespmem:s0+$0x10]  }
0xb0: {  	v7 =	vld [tilespmem:s0+$0x20]  }
0xb1: {  	s30 =	simm.s32 $0x40C0;
	v8 =	vld [tilespmem:s0+$0xFFFFFFC0]  }
0xb2: {  	v11 =	vld [tilespmem:s30+$0x30]  }
0xb3: {  	v14 =	vld [tilespmem:s30+$0xFFFFFFD0]  }
0xb4: {  	v9 =	vld [tilespmem:s30+$0xFFFFFFE0]  }
0xb5: {  	v10 =	vld.idx.msk [tilespmem:v0+s2+$0x0], $0xffff  }
0xb6: {  	v12 =	vld.idx.msk [tilespmem:v1+s2+$0x0], $0xffff  }
0xb7: {  	v4 =	vld.idx.msk [tilespmem:v2+s2+$0x0], $0xffff  }
0xb8: {  	v3 =	vld.idx.msk [tilespmem:v3+s2+$0x0], $0xffff  }
0xb9: {  	v13 =	vld.idx.msk [tilespmem:v8+s2+$0x0], $0xffff  }
0xba: {  	v1 =	vld.idx.msk [tilespmem:v7+s2+$0x0], $0xffff  }
0xbb: {  	v7 =	vld [tilespmem:s30+$0xFFFFFFC0]  }
0xbc: {  	v2 =	vld.idx.msk [tilespmem:v5+s2+$0x0], $0xffff  }
0xbd: {  	v0 =	vld.idx.msk [tilespmem:v6+s2+$0x0], $0xffff  }
0xbe: {  	v8 =	vld [tilespmem:s30+$0xFFFFFFF0]  }
0xbf: {  	v6 =	vld [tilespmem:s30+$0x0];
	v10 =	vsub.f32 v11, v10  }
0xc0: {  	s31 =	simm.s32 $0x80C0;
	v5 =	vld [tilespmem:s30+$0x10];
	v11 =	vsub.f32 v7, v13  }
0xc1: {  	s1 =	simm.s32 $0x140;
	s0 =	simm.s32 $0x0;
	v7 =	vld [tilespmem:s30+$0x20];
	[tilespmem:s31+$0x30] =	vst v10;
	v10 =	vsub.f32 v14, v12  }
.LBB2_6:
0xc2: {  	v12 =	vld [tilespmem:s1+$0x30];
	s0 =	sadd.s32 $0x80, s0;
	[tilespmem:s31+$0xFFFFFFC0] =	vst v11;
	v4 =	vsub.f32 v9, v4  }
0xc3: {  	v9 =	vld [tilespmem:s1+$0xFFFFFFD0];
	p0 =	slt.u32 s0, $0x1F80;
	[tilespmem:s31+$0xFFFFFFD0] =	vst v10;
	v3 =	vsub.f32 v8, v3  }
0xc4: {  	v8 =	vld [tilespmem:s1+$0xFFFFFFE0];
	[tilespmem:s31+$0xFFFFFFE0] =	vst v4;
	v2 =	vsub.f32 v6, v2  }
0xc5: {  	v6 =	vld [tilespmem:s1+$0xFFFFFFF0];
	[tilespmem:s31+$0xFFFFFFF0] =	vst v3;
	v0 =	vsub.f32 v5, v0  }
0xc6: {  	v5 =	vld [tilespmem:s1+$0x0];
	[tilespmem:s31+$0x0] =	vst v2;
	v1 =	vsub.f32 v7, v1  }
0xc7: {  	v7 =	vld [tilespmem:s1+$0x10];
	[tilespmem:s31+$0x10] =	vst v0  }
0xc8: {  	v10 =	vld [tilespmem:s1+$0x20];
	[tilespmem:s31+$0x20] =	vst v1  }
0xc9: {  	v1 =	vld [tilespmem:s1+$0xFFFFFFC0]  }
0xca: {  	s30 =	sadd.s32 $0x80, s30;
	v11 =	vld.idx.msk [tilespmem:v12+s2+$0x0], $0xffff  }
0xcb: {  	v12 =	vld [tilespmem:s30+$0x30]  }
0xcc: {  	v13 =	vld.idx.msk [tilespmem:v9+s2+$0x0], $0xffff  }
0xcd: {  	v4 =	vld.idx.msk [tilespmem:v8+s2+$0x0], $0xffff  }
0xce: {  	v3 =	vld.idx.msk [tilespmem:v6+s2+$0x0], $0xffff  }
0xcf: {  	v2 =	vld.idx.msk [tilespmem:v5+s2+$0x0], $0xffff  }
0xd0: {  	v0 =	vld.idx.msk [tilespmem:v7+s2+$0x0], $0xffff;
	v5 =	vsub.f32 v12, v11  }
0xd1: {  	s31 =	sadd.s32 $0x80, s31;
	v7 =	vld.idx.msk [tilespmem:v1+s2+$0x0], $0xffff  }
0xd2: {  	v1 =	vld.idx.msk [tilespmem:v10+s2+$0x0], $0xffff;
	[tilespmem:s31+$0x30] =	vst v5  }
0xd3: {  	v5 =	vld [tilespmem:s30+$0xFFFFFFC0]  }
0xd4: {  	v10 =	vld [tilespmem:s30+$0xFFFFFFD0]  }
.Ltmp2:
0xd5: {  	v9 =	vld [tilespmem:s30+$0xFFFFFFE0];
	(pc) =	sbr.rel @p0 .LBB2_6-.Ltmp2, $4  }
0xd6: {  	v8 =	vld [tilespmem:s30+$0xFFFFFFF0]  }
0xd7: {  	v6 =	vld [tilespmem:s30+$0x0]  }
0xd8: {  	v11 =	vsub.f32 v5, v7;
	v5 =	vld [tilespmem:s30+$0x10]  }
0xd9: {  	s1 =	sadd.s32 $0x80, s1;
	v10 =	vsub.f32 v10, v13;
	v7 =	vld [tilespmem:s30+$0x20]  }
0xda: {  	[tilespmem:s31+$0xFFFFFFC0] =	vst v11;
	v4 =	vsub.f32 v9, v4  }
0xdb: {  	[tilespmem:s31+$0xFFFFFFD0] =	vst v10;
	v3 =	vsub.f32 v8, v3  }
0xdc: {  	[tilespmem:s31+$0xFFFFFFE0] =	vst v4;
	v2 =	vsub.f32 v6, v2  }
0xdd: {  	[tilespmem:s31+$0xFFFFFFF0] =	vst v3;
	v0 =	vsub.f32 v5, v0  }
0xde: {  	[tilespmem:s31+$0x0] =	vst v2;
	v1 =	vsub.f32 v7, v1  }
0xdf: {  	[tilespmem:s31+$0x10] =	vst v0  }
0xe0: {  	[tilespmem:s31+$0x20] =	vst v1  }
0xe1: {  	[hbm4b:s14+s2] =	stream.linear.scatter [tilespmem:s23], [sflag:$0x3], $0x2000, $0x38;
	[tilespmem:$0xC080] =	vst v63  }
0xe2: {  	_ =	swait.ge [sflag:s24], $0x2000  }
0xe3: {  	[sflag:s24] =	ssyncset.done $0x0  }
0xe4: {  	[sflag:s24] =	ssyncadd.s32 $0xFFFFE000  }
0xe5: {  	_ =	swait.ge [sflag:s24], $0x2000  }
0xe6: {  	[sflag:s24] =	ssyncset.done $0x0  }
0xe7: {  	[sflag:s24] =	ssyncadd.s32 $0xFFFFE000  }
0xe8: {  	_ =	swait.ge [sflag:s28], $0x2000  }
0xe9: {  	[sflag:s28] =	ssyncset.done $0x0  }
0xea: {  	s0 =	simm.s32 $0x20C0;
	[sflag:s28] =	ssyncadd.s32 $0xFFFFE000  }
0xeb: {  	v0 =	vld [tilespmem:s0+$0x30]  }
0xec: {  	v1 =	vld [tilespmem:s0+$0xFFFFFFD0]  }
0xed: {  	v2 =	vld [tilespmem:s0+$0xFFFFFFE0]  }
0xee: {  	v3 =	vld [tilespmem:s0+$0xFFFFFFF0]  }
0xef: {  	v5 =	vld [tilespmem:s0+$0x0]  }
0xf0: {  	v6 =	vld [tilespmem:s0+$0x10]  }
0xf1: {  	v7 =	vld [tilespmem:s0+$0x20]  }
0xf2: {  	s30 =	simm.s32 $0x60C0;
	v8 =	vld [tilespmem:s0+$0xFFFFFFC0]  }
0xf3: {  	v11 =	vld [tilespmem:s30+$0x30]  }
0xf4: {  	v14 =	vld [tilespmem:s30+$0xFFFFFFD0]  }
0xf5: {  	v9 =	vld [tilespmem:s30+$0xFFFFFFE0]  }
0xf6: {  	v10 =	vld.idx.msk [tilespmem:v0+s2+$0x0], $0xffff  }
0xf7: {  	v12 =	vld.idx.msk [tilespmem:v1+s2+$0x0], $0xffff  }
0xf8: {  	v4 =	vld.idx.msk [tilespmem:v2+s2+$0x0], $0xffff  }
0xf9: {  	v3 =	vld.idx.msk [tilespmem:v3+s2+$0x0], $0xffff  }
0xfa: {  	v13 =	vld.idx.msk [tilespmem:v8+s2+$0x0], $0xffff  }
0xfb: {  	v1 =	vld.idx.msk [tilespmem:v7+s2+$0x0], $0xffff  }
0xfc: {  	v7 =	vld [tilespmem:s30+$0xFFFFFFC0]  }
0xfd: {  	v2 =	vld.idx.msk [tilespmem:v5+s2+$0x0], $0xffff  }
0xfe: {  	v0 =	vld.idx.msk [tilespmem:v6+s2+$0x0], $0xffff  }
0xff: {  	v8 =	vld [tilespmem:s30+$0xFFFFFFF0]  }
0x100: {  	v6 =	vld [tilespmem:s30+$0x0];
	v10 =	vsub.f32 v11, v10  }
0x101: {  	s31 =	simm.s32 $0xA0C0;
	v5 =	vld [tilespmem:s30+$0x10];
	v11 =	vsub.f32 v7, v13  }
0x102: {  	s1 =	simm.s32 $0x2140;
	s0 =	simm.s32 $0x0;
	v7 =	vld [tilespmem:s30+$0x20];
	[tilespmem:s31+$0x30] =	vst v10;
	v10 =	vsub.f32 v14, v12  }
.LBB2_8:
0x103: {  	v12 =	vld [tilespmem:s1+$0x30];
	s0 =	sadd.s32 $0x80, s0;
	[tilespmem:s31+$0xFFFFFFC0] =	vst v11;
	v4 =	vsub.f32 v9, v4  }
0x104: {  	v9 =	vld [tilespmem:s1+$0xFFFFFFD0];
	p0 =	slt.u32 s0, $0x1F80;
	[tilespmem:s31+$0xFFFFFFD0] =	vst v10;
	v3 =	vsub.f32 v8, v3  }
0x105: {  	v8 =	vld [tilespmem:s1+$0xFFFFFFE0];
	[tilespmem:s31+$0xFFFFFFE0] =	vst v4;
	v2 =	vsub.f32 v6, v2  }
0x106: {  	v6 =	vld [tilespmem:s1+$0xFFFFFFF0];
	[tilespmem:s31+$0xFFFFFFF0] =	vst v3;
	v0 =	vsub.f32 v5, v0  }
0x107: {  	v5 =	vld [tilespmem:s1+$0x0];
	[tilespmem:s31+$0x0] =	vst v2;
	v1 =	vsub.f32 v7, v1  }
0x108: {  	v7 =	vld [tilespmem:s1+$0x10];
	[tilespmem:s31+$0x10] =	vst v0  }
0x109: {  	v10 =	vld [tilespmem:s1+$0x20];
	[tilespmem:s31+$0x20] =	vst v1  }
0x10a: {  	v1 =	vld [tilespmem:s1+$0xFFFFFFC0]  }
0x10b: {  	s30 =	sadd.s32 $0x80, s30;
	v11 =	vld.idx.msk [tilespmem:v12+s2+$0x0], $0xffff  }
0x10c: {  	v12 =	vld [tilespmem:s30+$0x30]  }
0x10d: {  	v13 =	vld.idx.msk [tilespmem:v9+s2+$0x0], $0xffff  }
0x10e: {  	v4 =	vld.idx.msk [tilespmem:v8+s2+$0x0], $0xffff  }
0x10f: {  	v3 =	vld.idx.msk [tilespmem:v6+s2+$0x0], $0xffff  }
0x110: {  	v2 =	vld.idx.msk [tilespmem:v5+s2+$0x0], $0xffff  }
0x111: {  	v0 =	vld.idx.msk [tilespmem:v7+s2+$0x0], $0xffff;
	v5 =	vsub.f32 v12, v11  }
0x112: {  	s31 =	sadd.s32 $0x80, s31;
	v7 =	vld.idx.msk [tilespmem:v1+s2+$0x0], $0xffff  }
0x113: {  	v1 =	vld.idx.msk [tilespmem:v10+s2+$0x0], $0xffff;
	[tilespmem:s31+$0x30] =	vst v5  }
0x114: {  	v5 =	vld [tilespmem:s30+$0xFFFFFFC0]  }
0x115: {  	v10 =	vld [tilespmem:s30+$0xFFFFFFD0]  }
.Ltmp3:
0x116: {  	v9 =	vld [tilespmem:s30+$0xFFFFFFE0];
	(pc) =	sbr.rel @p0 .LBB2_8-.Ltmp3, $4  }
0x117: {  	v8 =	vld [tilespmem:s30+$0xFFFFFFF0]  }
0x118: {  	v6 =	vld [tilespmem:s30+$0x0]  }
0x119: {  	v11 =	vsub.f32 v5, v7;
	v5 =	vld [tilespmem:s30+$0x10]  }
0x11a: {  	s1 =	sadd.s32 $0x80, s1;
	v10 =	vsub.f32 v10, v13;
	v7 =	vld [tilespmem:s30+$0x20]  }
0x11b: {  	[tilespmem:s31+$0xFFFFFFC0] =	vst v11;
	v4 =	vsub.f32 v9, v4  }
0x11c: {  	[tilespmem:s31+$0xFFFFFFD0] =	vst v10;
	v3 =	vsub.f32 v8, v3  }
0x11d: {  	[tilespmem:s31+$0xFFFFFFE0] =	vst v4;
	v2 =	vsub.f32 v6, v2  }
0x11e: {  	[tilespmem:s31+$0xFFFFFFF0] =	vst v3;
	v0 =	vsub.f32 v5, v0  }
0x11f: {  	[tilespmem:s31+$0x0] =	vst v2;
	v1 =	vsub.f32 v7, v1  }
0x120: {  	[tilespmem:s31+$0x10] =	vst v0  }
0x121: {  	s29 =	sadd.s32 $0x1, s29;
	[tilespmem:s31+$0x20] =	vst v1  }
0x122: {  	[hbm4b:s15+s2] =	stream.linear.scatter [tilespmem:s25], [sflag:$0x4], $0x2000, $0x38;
	[tilespmem:$0xC080] =	vst v63  }
0x123: {  	p0 =	sne.s32 s29, s16;
	_ =	swait.ge [sflag:s26], $0x2000  }
.Ltmp4:
0x124: {  	[sflag:s26] =	ssyncset.done $0x0;
	(pc) =	sbr.rel @p0 .LBB2_1-.Ltmp4, $4  }
0x125: {  	[sflag:s26] =	ssyncadd.s32 $0xFFFFE000  }
0x126: {  	_ =	swait.ge [sflag:s28], $0x2000  }
0x127: {  	[sflag:s28] =	ssyncset.done $0x0  }
0x128: {  	[sflag:s28] =	ssyncadd.s32 $0xFFFFE000  }
0x129: {  	_ =	sfence.sel $0x180000  }
0x12a: {  	[bflag:$0x0] =	sbarrier.arrive $0xFFFF  }
0x12b: {  	_ =	strace $0x90000047  }
0x12c: {  	s0 =	stileid.u32;
	[bflag:$0x2] =	sbarrier.arrive $0xFFFF  }
0x12d: {  	p0 =	sne.s32 s0, $0x0;
	s0 =	rddreg [dreg:$0x4]  }
0x12e: {  	s0 =	sadd.s32 @!p0 $0x100000, s0  }
0x12f: {  	[sflag:s0] =	ssyncadd.tile.s32 @!p0 $0x1;
	_ =	shalt  }
.Lfunc_end2:
_tile_overlayer_lowered:
.L_overlay_start_2:
0x130: {  	(tag) =	ssettag $0x2  }
0x131: {  	s0 =	rddreg [dreg:$0x0];
	s2 =	stileid.u32  }
0x132: {  	s1 =	rddreg [dreg:$0x1];
	p0 =	sne.s32 s2, $0x0  }
0x133: {  	s3 =	rddreg [dreg:$0x2];
	[bflag:$0x3] =	sbarrier.arrive $0xFFFF;
	s2 =	simm.s32 @!p0 $0x1C05  }
0x134: {  	[timem:s3], [sflag:s2] =	dma.local @!p0 [hbm:s0], s1  }
0x135: {  	s0 =	simm.s32 @!p0 $0x5  }
0x136: {  	_ =	swait.ge @!p0 [sflag:s0], s1  }
0x137: {  	s1 =	ssub.s32 @!p0 $0x0, s1;
	[sflag:s0] =	ssyncset.done @!p0 $0x0  }
0x138: {  	[sflag:s0] =	ssyncadd.s32 @!p0 s1  }
0x139: {  	[bflag:$0x3] =	sbarrier.arrive $0xFFFF  }
0x13a: {  	_ =	shalt  }

</sc_bundles>
